<compile_context>
chip_gen: v7x
topology: tpu7x:2x2x1
jax: 0.10.2.dev20260603
libtpu: 0.0.44.dev20260713+nightly
codegen_flags: <defaults>
</compile_context>

<pallas_src>
import functools

import jax
import jax.numpy as jnp
from jax import lax
from jax.experimental import pallas as pl
from jax.experimental.pallas import tpu as pltpu
from jax.experimental.pallas import tpu_sc as plsc

N = 100000
E = 1600000
NC = 2
NS = 16
NW = NC * NS
NPAD = 100352
RPT = NPAD // NS
EPT = E // NW
CD = 50000
C4 = 10000
C2 = 25000

_MESH = plsc.VectorSubcoreMesh(
    core_axis_name="c", subcore_axis_name="s", num_cores=NC, num_subcores=NS
)

_F32 = jnp.float32


def _nslice(ref, s):
    return ref.at[pl.ds(s * RPT, RPT)]


@functools.partial(
    pl.kernel,
    out_type=[
        jax.ShapeDtypeStruct((NPAD,), _F32),
        jax.ShapeDtypeStruct((NPAD,), _F32),
    ],
    mesh=_MESH,
    scratch_types=[
        pltpu.VMEM((CD,), jnp.int32),
        pltpu.VMEM((CD,), _F32),
        pltpu.VMEM_SHARED((NPAD,), _F32),
    ],
)
def _deg_call(dst_hbm, zeros_hbm, out0_hbm, out1_hbm, didx, ones_v, deg_sh):
    c = lax.axis_index("c")
    s = lax.axis_index("s")
    wid = c * NS + s

    def fill(i, carry):
        ones_v[pl.ds(i * 16, 16)] = jnp.ones((16,), _F32)
        return carry

    lax.fori_loop(0, CD // 16, fill, 0)
    pltpu.sync_copy(_nslice(zeros_hbm, s), _nslice(deg_sh, s))
    plsc.subcore_barrier()

    ebase = wid * EPT

    def chunk(j, carry):
        pltpu.sync_copy(dst_hbm.at[pl.ds(ebase + j * CD, CD)], didx)
        pltpu.sync_copy(ones_v, deg_sh.at[didx], add=True)
        return carry

    lax.fori_loop(0, EPT // CD, chunk, 0)
    plsc.subcore_barrier()

    @pl.when(c == 0)
    def _():
        pltpu.sync_copy(_nslice(deg_sh, s), _nslice(out0_hbm, s))

    @pl.when(c != 0)
    def _():
        pltpu.sync_copy(_nslice(deg_sh, s), _nslice(out1_hbm, s))


def _mp_body(F, C, *refs):
    src_hbm, dst_hbm = refs[0], refs[1]
    g_hbm = refs[2:2 + F]
    z_hbm = refs[2 + F]
    outs = refs[3 + F:3 + 3 * F]
    k = 3 + 3 * F
    sidx, didx = refs[k], refs[k + 1]
    m_v = refs[k + 2:k + 2 + F]
    g_sh = refs[k + 2 + F:k + 2 + 2 * F]
    a_sh = refs[k + 2 + 2 * F:k + 2 + 3 * F]
    sem_i, sem_g, sem_s = refs[k + 2 + 3 * F:k + 5 + 3 * F]

    c = lax.axis_index("c")
    s = lax.axis_index("s")
    wid = c * NS + s

    stage = [
        pltpu.async_copy(_nslice(g_hbm[f], s), _nslice(g_sh[f], s), sem_g)
        for f in range(F)
    ]

    @pl.when(c == 0)
    def _():
        for f in range(F):
            pltpu.async_copy(_nslice(g_hbm[f], s), _nslice(a_sh[f], s), sem_s).wait()

    @pl.when(c != 0)
    def _():
        for f in range(F):
            pltpu.async_copy(_nslice(z_hbm, s), _nslice(a_sh[f], s), sem_s).wait()

    for d in stage:
        d.wait()
    plsc.subcore_barrier()

    ebase = wid * EPT

    def chunk(j, carry):
        base = ebase + j * C
        di0 = pltpu.async_copy(src_hbm.at[pl.ds(base, C)], sidx, sem_i)
        di1 = pltpu.async_copy(dst_hbm.at[pl.ds(base, C)], didx, sem_i)
        di0.wait()
        di1.wait()
        gs = [
            pltpu.async_copy(g_sh[f].at[sidx], m_v[f], sem_g)
            for f in range(F)
        ]
        for d in gs:
            d.wait()
        ss = [
            pltpu.async_copy(m_v[f], a_sh[f].at[didx], sem_s, add=True)
            for f in range(F)
        ]
        for d in ss:
            d.wait()
        return carry

    lax.fori_loop(0, EPT // C, chunk, 0)
    plsc.subcore_barrier()

    @pl.when(c == 0)
    def _():
        for f in range(F):
            pltpu.async_copy(_nslice(a_sh[f], s), _nslice(outs[f], s), sem_g).wait()

    @pl.when(c != 0)
    def _():
        for f in range(F):
            pltpu.async_copy(_nslice(a_sh[f], s), _nslice(outs[F + f], s), sem_g).wait()


def _make_mp(F, C):
    return functools.partial(
        pl.kernel,
        out_type=[jax.ShapeDtypeStruct((NPAD,), _F32)] * (2 * F),
        mesh=_MESH,
        scratch_types=(
            [
                pltpu.VMEM((C,), jnp.int32),
                pltpu.VMEM((C,), jnp.int32),
            ]
            + [pltpu.VMEM((C,), _F32)] * F
            + [pltpu.VMEM_SHARED((NPAD,), _F32)] * (2 * F)
            + [pltpu.SemaphoreType.DMA] * 3
        ),
    )(functools.partial(_mp_body, F, C))


_mp4_call = _make_mp(4, C4)
_mp2_call = _make_mp(2, C2)


_V2D = (NPAD // 128, 128)


def _vspec():
    return pl.BlockSpec(_V2D, lambda: (0, 0))


def _sspec():
    return pl.BlockSpec(memory_space=pltpu.SMEM)


def _mm1t_body(w1t_ref, xt_ref, h_ref):
    h_ref[...] = jnp.dot(w1t_ref[...], xt_ref[...], preferred_element_type=_F32)


def _tc_mm1t(w1t, xpt):
    return pl.pallas_call(
        _mm1t_body,
        grid=(NS,),
        in_specs=[
            pl.BlockSpec((4, 34), lambda i: (0, 0)),
            pl.BlockSpec((34, RPT), lambda i: (0, i)),
        ],
        out_specs=pl.BlockSpec((4, RPT), lambda i: (0, i)),
        out_shape=jax.ShapeDtypeStruct((4, NPAD), _F32),
    )(w1t, xpt)


def _disg1_body(d0_ref, d1_ref, h0_ref, h1_ref, h2_ref, h3_ref,
                dis_ref, g0_ref, g1_ref, g2_ref, g3_ref):
    dis = lax.rsqrt(d0_ref[...] + d1_ref[...] + 1.0)
    dis_ref[...] = dis
    g0_ref[...] = h0_ref[...] * dis
    g1_ref[...] = h1_ref[...] * dis
    g2_ref[...] = h2_ref[...] * dis
    g3_ref[...] = h3_ref[...] * dis


def _tc_disg1(d0, d1, h):
    return pl.pallas_call(
        _disg1_body,
        in_specs=[_vspec()] * 6,
        out_specs=[_vspec()] * 5,
        out_shape=[jax.ShapeDtypeStruct(_V2D, _F32)] * 5,
    )(d0.reshape(_V2D), d1.reshape(_V2D),
      h[0].reshape(_V2D), h[1].reshape(_V2D),
      h[2].reshape(_V2D), h[3].reshape(_V2D))


def _mid_body(dis_ref, a00, a01, a02, a03, a10, a11, a12, a13,
              b1_ref, w2_ref, g0_ref, g1_ref):
    dis = dis_ref[...]
    o = [
        jnp.maximum(dis * (a0[...] + a1[...]) + b1_ref[f], 0.0)
        for f, (a0, a1) in enumerate(
            [(a00, a10), (a01, a11), (a02, a12), (a03, a13)]
        )
    ]
    for j, g_ref in enumerate((g0_ref, g1_ref)):
        h = o[0] * w2_ref[0 * 2 + j]
        for f in range(1, 4):
            h = h + o[f] * w2_ref[f * 2 + j]
        g_ref[...] = h * dis


def _tc_mid(dis, a, b1, w2f):
    return pl.pallas_call(
        _mid_body,
        in_specs=[_vspec()] * 9 + [_sspec(), _sspec()],
        out_specs=[_vspec()] * 2,
        out_shape=[jax.ShapeDtypeStruct(_V2D, _F32)] * 2,
    )(dis, *[x.reshape(_V2D) for x in a], b1, w2f)


def _fin_body(dis_ref, a00, a01, a10, a11, b2_ref, o0_ref, o1_ref):
    dis = dis_ref[...]
    z0 = dis * (a00[...] + a10[...]) + b2_ref[0]
    z1 = dis * (a01[...] + a11[...]) + b2_ref[1]
    m = jnp.maximum(z0, z1)
    e0 = jnp.exp(z0 - m)
    e1 = jnp.exp(z1 - m)
    inv = 1.0 / (e0 + e1)
    o0_ref[...] = e0 * inv
    o1_ref[...] = e1 * inv


def _tc_fin(dis, a, b2):
    return pl.pallas_call(
        _fin_body,
        in_specs=[_vspec()] * 5 + [_sspec()],
        out_specs=[_vspec()] * 2,
        out_shape=[jax.ShapeDtypeStruct(_V2D, _F32)] * 2,
    )(dis, *[x.reshape(_V2D) for x in a], b2)


def kernel(x, edge_index, W1, b1, W2, b2):
    xpt = jnp.zeros((NPAD, 34), _F32).at[:N].set(x).T
    srcp = edge_index[0]
    dstp = edge_index[1]
    zd = jnp.zeros((NPAD,), _F32)

    d0, d1 = _deg_call(dstp, zd)
    h1t = _tc_mm1t(W1.T, xpt)
    dis2d, g0, g1, g2, g3 = _tc_disg1(d0, d1, [h1t[f] for f in range(4)])
    a1 = _mp4_call(srcp, dstp, g0.reshape(NPAD), g1.reshape(NPAD),
                   g2.reshape(NPAD), g3.reshape(NPAD), zd)
    g20, g21 = _tc_mid(dis2d, a1, b1, W2.reshape(8))
    a2 = _mp2_call(srcp, dstp, g20.reshape(NPAD), g21.reshape(NPAD), zd)
    o0, o1 = _tc_fin(dis2d, a2, b2)
    return jnp.stack([o0.reshape(NPAD)[:N], o1.reshape(NPAD)[:N]], axis=1)

# --- scband reference (transcript-rebuilt; emitter-appended) ---
"""Pipeline reference for scband-gnn-81595788689973 (READ-ONLY COPY).

The authoritative reference and input builder live on the scoring server;
editing this copy changes nothing except your own understanding.
"""

import jax, jax.numpy as jnp
import numpy as np

N_NODES = 100000
N_EDGES = 1600000


def gcn_conv(x, edge_index, W, b):
    n = x.shape[0]
    loop = jnp.arange(n, dtype=edge_index.dtype)
    src = jnp.concatenate([edge_index[0], loop])
    dst = jnp.concatenate([edge_index[1], loop])
    deg = jnp.zeros((n,), dtype=x.dtype).at[dst].add(1.0)
    dis = jnp.where(deg > 0, jax.lax.rsqrt(jnp.maximum(deg, 1e-12)), 0.0)
    norm = dis[src] * dis[dst]
    h = x @ W
    msg = h[src] * norm[:, None]
    out = jax.ops.segment_sum(msg, dst, num_segments=n)
    return out + b


def setup_inputs(seed: int = 0) -> dict:
    key = jax.random.key(seed)
    k1, k2, k3, k4 = jax.random.split(key, 4)
    x = jax.random.normal(k1, (N_NODES, 34), dtype=jnp.float32)
    edge_index = jax.random.randint(k2, (2, N_EDGES), 0, N_NODES, dtype=jnp.int32)
    W1 = jax.random.normal(k3, (34, 4), dtype=jnp.float32) * (1.0 / np.sqrt(34.0))
    b1 = jnp.zeros((4,), dtype=jnp.float32)
    W2 = jax.random.normal(k4, (4, 2), dtype=jnp.float32) * (1.0 / np.sqrt(4.0))
    b2 = jnp.zeros((2,), dtype=jnp.float32)
    return {"x": x, "edge_index": edge_index, "W1": W1, "b1": b1, "W2": W2, "b2": b2}


def reference(x, edge_index, W1, b1, W2, b2):
    h = jax.nn.relu(gcn_conv(x, edge_index, W1, b1))
    out = gcn_conv(h, edge_index, W2, b2)
    return jax.nn.softmax(out, axis=1)

if __name__ == "__main__":
    import jax
    _d = setup_inputs()
    print(jax.jit(kernel)(*tuple(_d.values())))

</pallas_src>

<mosaic_0001>
#map = affine_map<(d0, d1) -> (0)>
module attributes {stable_mosaic.version = 14 : i64} {
  func.func @_mp_body(%arg0: i32, %arg1: i32, %arg2: memref<1600000xi32, #tpu.memory_space<hbm>>, %arg3: memref<1600000xi32, #tpu.memory_space<hbm>>, %arg4: memref<100352xf32, #tpu.memory_space<hbm>>, %arg5: memref<100352xf32, #tpu.memory_space<hbm>>, %arg6: memref<100352xf32, #tpu.memory_space<hbm>>, %arg7: memref<100352xf32, #tpu.memory_space<hbm>>, %arg8: memref<100352xf32, #tpu.memory_space<hbm>>, %arg9: memref<100352xf32, #tpu.memory_space<hbm>>, %arg10: memref<100352xf32, #tpu.memory_space<hbm>>, %arg11: memref<100352xf32, #tpu.memory_space<hbm>>, %arg12: memref<100352xf32, #tpu.memory_space<hbm>>, %arg13: memref<100352xf32, #tpu.memory_space<hbm>>, %arg14: memref<100352xf32, #tpu.memory_space<hbm>>, %arg15: memref<100352xf32, #tpu.memory_space<hbm>>, %arg16: memref<100352xf32, #tpu.memory_space<hbm>>, %arg17: memref<10000xi32, #tpu.memory_space<vmem>>, %arg18: memref<10000xi32, #tpu.memory_space<vmem>>, %arg19: memref<10000xf32, #tpu.memory_space<vmem>>, %arg20: memref<10000xf32, #tpu.memory_space<vmem>>, %arg21: memref<10000xf32, #tpu.memory_space<vmem>>, %arg22: memref<10000xf32, #tpu.memory_space<vmem>>, %arg23: memref<100352xf32, #tpu.memory_space<vmem_shared>>, %arg24: memref<100352xf32, #tpu.memory_space<vmem_shared>>, %arg25: memref<100352xf32, #tpu.memory_space<vmem_shared>>, %arg26: memref<100352xf32, #tpu.memory_space<vmem_shared>>, %arg27: memref<100352xf32, #tpu.memory_space<vmem_shared>>, %arg28: memref<100352xf32, #tpu.memory_space<vmem_shared>>, %arg29: memref<100352xf32, #tpu.memory_space<vmem_shared>>, %arg30: memref<100352xf32, #tpu.memory_space<vmem_shared>>, %arg31: memref<!tpu.dma_semaphore, #tpu.memory_space<semaphore_mem>>, %arg32: memref<!tpu.dma_semaphore, #tpu.memory_space<semaphore_mem>>, %arg33: memref<!tpu.dma_semaphore, #tpu.memory_space<semaphore_mem>>) attributes {dimension_semantics = [#tpu.dimension_semantics<core_parallel>, #tpu.dimension_semantics<subcore_parallel>], iteration_bounds = array<i64: 2, 16>, scalar_prefetch = 0 : i64, scratch_operands = 17 : i64, tpu.core_type = #tpu.core_type<sc_vector_subcore>, window_params = [{transform_indices = #map}, {transform_indices = #map}, {transform_indices = #map}, {transform_indices = #map}, {transform_indices = #map}, {transform_indices = #map}, {transform_indices = #map}, {transform_indices = #map}, {transform_indices = #map}, {transform_indices = #map}, {transform_indices = #map}, {transform_indices = #map}, {transform_indices = #map}, {transform_indices = #map}, {transform_indices = #map}]} {
    %mul3A = arith.constant 16 : i32
    %mul3A_0 = arith.muli %arg0, %mul3A : i32
    %add3A = arith.addi %mul3A_0, %arg1 : i32
    %mul3A_1 = arith.constant 6272 : i32
    %mul3A_2 = arith.muli %arg1, %mul3A_1 : i32
    %mul3A_3 = arith.constant 6272 : i32
    %mul3A_4 = arith.muli %arg1, %mul3A_3 : i32
    %dma_start3A = tpu.memref_slice %arg23[%mul3A_4] : memref<100352xf32, #tpu.memory_space<vmem_shared>> -> memref<6272xf32, #tpu.memory_space<vmem_shared>>
    %dma_start3A_5 = tpu.memref_slice %arg4[%mul3A_2] : memref<100352xf32, #tpu.memory_space<hbm>> -> memref<6272xf32, #tpu.memory_space<hbm>>
    tpu.enqueue_dma source(%dma_start3A_5 : memref<6272xf32, #tpu.memory_space<hbm>>) target(%dma_start3A : memref<6272xf32, #tpu.memory_space<vmem_shared>>) target_semaphore(%arg32 : memref<!tpu.dma_semaphore, #tpu.memory_space<semaphore_mem>>)
    %mul3A_6 = arith.constant 6272 : i32
    %mul3A_7 = arith.muli %arg1, %mul3A_6 : i32
    %mul3A_8 = arith.constant 6272 : i32
    %mul3A_9 = arith.muli %arg1, %mul3A_8 : i32
    %dma_start3A_10 = tpu.memref_slice %arg24[%mul3A_9] : memref<100352xf32, #tpu.memory_space<vmem_shared>> -> memref<6272xf32, #tpu.memory_space<vmem_shared>>
    %dma_start3A_11 = tpu.memref_slice %arg5[%mul3A_7] : memref<100352xf32, #tpu.memory_space<hbm>> -> memref<6272xf32, #tpu.memory_space<hbm>>
    tpu.enqueue_dma source(%dma_start3A_11 : memref<6272xf32, #tpu.memory_space<hbm>>) target(%dma_start3A_10 : memref<6272xf32, #tpu.memory_space<vmem_shared>>) target_semaphore(%arg32 : memref<!tpu.dma_semaphore, #tpu.memory_space<semaphore_mem>>)
    %mul3A_12 = arith.constant 6272 : i32
    %mul3A_13 = arith.muli %arg1, %mul3A_12 : i32
    %mul3A_14 = arith.constant 6272 : i32
    %mul3A_15 = arith.muli %arg1, %mul3A_14 : i32
    %dma_start3A_16 = tpu.memref_slice %arg25[%mul3A_15] : memref<100352xf32, #tpu.memory_space<vmem_shared>> -> memref<6272xf32, #tpu.memory_space<vmem_shared>>
    %dma_start3A_17 = tpu.memref_slice %arg6[%mul3A_13] : memref<100352xf32, #tpu.memory_space<hbm>> -> memref<6272xf32, #tpu.memory_space<hbm>>
    tpu.enqueue_dma source(%dma_start3A_17 : memref<6272xf32, #tpu.memory_space<hbm>>) target(%dma_start3A_16 : memref<6272xf32, #tpu.memory_space<vmem_shared>>) target_semaphore(%arg32 : memref<!tpu.dma_semaphore, #tpu.memory_space<semaphore_mem>>)
    %mul3A_18 = arith.constant 6272 : i32
    %mul3A_19 = arith.muli %arg1, %mul3A_18 : i32
    %mul3A_20 = arith.constant 6272 : i32
    %mul3A_21 = arith.muli %arg1, %mul3A_20 : i32
    %dma_start3A_22 = tpu.memref_slice %arg26[%mul3A_21] : memref<100352xf32, #tpu.memory_space<vmem_shared>> -> memref<6272xf32, #tpu.memory_space<vmem_shared>>
    %dma_start3A_23 = tpu.memref_slice %arg7[%mul3A_19] : memref<100352xf32, #tpu.memory_space<hbm>> -> memref<6272xf32, #tpu.memory_space<hbm>>
    tpu.enqueue_dma source(%dma_start3A_23 : memref<6272xf32, #tpu.memory_space<hbm>>) target(%dma_start3A_22 : memref<6272xf32, #tpu.memory_space<vmem_shared>>) target_semaphore(%arg32 : memref<!tpu.dma_semaphore, #tpu.memory_space<semaphore_mem>>)
    %eq3A = arith.constant 0 : i32
    %eq3A_24 = arith.cmpi eq, %arg0, %eq3A : i32
    %convert_element_type3A = arith.extui %eq3A_24 : i1 to i32
    %cond3A = arith.constant 0 : i32
    %cond3A_25 = arith.cmpi ne, %convert_element_type3A, %cond3A : i32
    scf.if %cond3A_25 {
      %mul3A_55 = arith.constant 6272 : i32
      %mul3A_56 = arith.muli %arg1, %mul3A_55 : i32
      %mul3A_57 = arith.constant 6272 : i32
      %mul3A_58 = arith.muli %arg1, %mul3A_57 : i32
      %dma_start3A_59 = tpu.memref_slice %arg27[%mul3A_58] : memref<100352xf32, #tpu.memory_space<vmem_shared>> -> memref<6272xf32, #tpu.memory_space<vmem_shared>>
      %dma_start3A_60 = tpu.memref_slice %arg4[%mul3A_56] : memref<100352xf32, #tpu.memory_space<hbm>> -> memref<6272xf32, #tpu.memory_space<hbm>>
      tpu.enqueue_dma source(%dma_start3A_60 : memref<6272xf32, #tpu.memory_space<hbm>>) target(%dma_start3A_59 : memref<6272xf32, #tpu.memory_space<vmem_shared>>) target_semaphore(%arg33 : memref<!tpu.dma_semaphore, #tpu.memory_space<semaphore_mem>>)
      %dma_wait3A_61 = tpu.memref_slice %arg27[%mul3A_58] : memref<100352xf32, #tpu.memory_space<vmem_shared>> -> memref<6272xf32, #tpu.memory_space<vmem_shared>>
      %dma_wait3A_62 = tpu.memref_slice %arg4[%mul3A_56] : memref<100352xf32, #tpu.memory_space<hbm>> -> memref<6272xf32, #tpu.memory_space<hbm>>
      tpu.wait_dma2 semaphore(%arg33 : memref<!tpu.dma_semaphore, #tpu.memory_space<semaphore_mem>>) src(%dma_wait3A_62 : memref<6272xf32, #tpu.memory_space<hbm>>) dst(%dma_wait3A_61 : memref<6272xf32, #tpu.memory_space<vmem_shared>>)
      %mul3A_63 = arith.constant 6272 : i32
      %mul3A_64 = arith.muli %arg1, %mul3A_63 : i32
      %mul3A_65 = arith.constant 6272 : i32
      %mul3A_66 = arith.muli %arg1, %mul3A_65 : i32
      %dma_start3A_67 = tpu.memref_slice %arg28[%mul3A_66] : memref<100352xf32, #tpu.memory_space<vmem_shared>> -> memref<6272xf32, #tpu.memory_space<vmem_shared>>
      %dma_start3A_68 = tpu.memref_slice %arg5[%mul3A_64] : memref<100352xf32, #tpu.memory_space<hbm>> -> memref<6272xf32, #tpu.memory_space<hbm>>
      tpu.enqueue_dma source(%dma_start3A_68 : memref<6272xf32, #tpu.memory_space<hbm>>) target(%dma_start3A_67 : memref<6272xf32, #tpu.memory_space<vmem_shared>>) target_semaphore(%arg33 : memref<!tpu.dma_semaphore, #tpu.memory_space<semaphore_mem>>)
      %dma_wait3A_69 = tpu.memref_slice %arg28[%mul3A_66] : memref<100352xf32, #tpu.memory_space<vmem_shared>> -> memref<6272xf32, #tpu.memory_space<vmem_shared>>
      %dma_wait3A_70 = tpu.memref_slice %arg5[%mul3A_64] : memref<100352xf32, #tpu.memory_space<hbm>> -> memref<6272xf32, #tpu.memory_space<hbm>>
      tpu.wait_dma2 semaphore(%arg33 : memref<!tpu.dma_semaphore, #tpu.memory_space<semaphore_mem>>) src(%dma_wait3A_70 : memref<6272xf32, #tpu.memory_space<hbm>>) dst(%dma_wait3A_69 : memref<6272xf32, #tpu.memory_space<vmem_shared>>)
      %mul3A_71 = arith.constant 6272 : i32
      %mul3A_72 = arith.muli %arg1, %mul3A_71 : i32
      %mul3A_73 = arith.constant 6272 : i32
      %mul3A_74 = arith.muli %arg1, %mul3A_73 : i32
      %dma_start3A_75 = tpu.memref_slice %arg29[%mul3A_74] : memref<100352xf32, #tpu.memory_space<vmem_shared>> -> memref<6272xf32, #tpu.memory_space<vmem_shared>>
      %dma_start3A_76 = tpu.memref_slice %arg6[%mul3A_72] : memref<100352xf32, #tpu.memory_space<hbm>> -> memref<6272xf32, #tpu.memory_space<hbm>>
      tpu.enqueue_dma source(%dma_start3A_76 : memref<6272xf32, #tpu.memory_space<hbm>>) target(%dma_start3A_75 : memref<6272xf32, #tpu.memory_space<vmem_shared>>) target_semaphore(%arg33 : memref<!tpu.dma_semaphore, #tpu.memory_space<semaphore_mem>>)
      %dma_wait3A_77 = tpu.memref_slice %arg29[%mul3A_74] : memref<100352xf32, #tpu.memory_space<vmem_shared>> -> memref<6272xf32, #tpu.memory_space<vmem_shared>>
      %dma_wait3A_78 = tpu.memref_slice %arg6[%mul3A_72] : memref<100352xf32, #tpu.memory_space<hbm>> -> memref<6272xf32, #tpu.memory_space<hbm>>
      tpu.wait_dma2 semaphore(%arg33 : memref<!tpu.dma_semaphore, #tpu.memory_space<semaphore_mem>>) src(%dma_wait3A_78 : memref<6272xf32, #tpu.memory_space<hbm>>) dst(%dma_wait3A_77 : memref<6272xf32, #tpu.memory_space<vmem_shared>>)
      %mul3A_79 = arith.constant 6272 : i32
      %mul3A_80 = arith.muli %arg1, %mul3A_79 : i32
      %mul3A_81 = arith.constant 6272 : i32
      %mul3A_82 = arith.muli %arg1, %mul3A_81 : i32
      %dma_start3A_83 = tpu.memref_slice %arg30[%mul3A_82] : memref<100352xf32, #tpu.memory_space<vmem_shared>> -> memref<6272xf32, #tpu.memory_space<vmem_shared>>
      %dma_start3A_84 = tpu.memref_slice %arg7[%mul3A_80] : memref<100352xf32, #tpu.memory_space<hbm>> -> memref<6272xf32, #tpu.memory_space<hbm>>
      tpu.enqueue_dma source(%dma_start3A_84 : memref<6272xf32, #tpu.memory_space<hbm>>) target(%dma_start3A_83 : memref<6272xf32, #tpu.memory_space<vmem_shared>>) target_semaphore(%arg33 : memref<!tpu.dma_semaphore, #tpu.memory_space<semaphore_mem>>)
      %dma_wait3A_85 = tpu.memref_slice %arg30[%mul3A_82] : memref<100352xf32, #tpu.memory_space<vmem_shared>> -> memref<6272xf32, #tpu.memory_space<vmem_shared>>
      %dma_wait3A_86 = tpu.memref_slice %arg7[%mul3A_80] : memref<100352xf32, #tpu.memory_space<hbm>> -> memref<6272xf32, #tpu.memory_space<hbm>>
      tpu.wait_dma2 semaphore(%arg33 : memref<!tpu.dma_semaphore, #tpu.memory_space<semaphore_mem>>) src(%dma_wait3A_86 : memref<6272xf32, #tpu.memory_space<hbm>>) dst(%dma_wait3A_85 : memref<6272xf32, #tpu.memory_space<vmem_shared>>)
    } else {
    }
    %ne3A = arith.constant 0 : i32
    %ne3A_26 = arith.cmpi ne, %arg0, %ne3A : i32
    %convert_element_type3A_27 = arith.extui %ne3A_26 : i1 to i32
    %cond3A_28 = arith.constant 0 : i32
    %cond3A_29 = arith.cmpi ne, %convert_element_type3A_27, %cond3A_28 : i32
    scf.if %cond3A_29 {
      %mul3A_55 = arith.constant 6272 : i32
      %mul3A_56 = arith.muli %arg1, %mul3A_55 : i32
      %mul3A_57 = arith.constant 6272 : i32
      %mul3A_58 = arith.muli %arg1, %mul3A_57 : i32
      %dma_start3A_59 = tpu.memref_slice %arg27[%mul3A_58] : memref<100352xf32, #tpu.memory_space<vmem_shared>> -> memref<6272xf32, #tpu.memory_space<vmem_shared>>
      %dma_start3A_60 = tpu.memref_slice %arg8[%mul3A_56] : memref<100352xf32, #tpu.memory_space<hbm>> -> memref<6272xf32, #tpu.memory_space<hbm>>
      tpu.enqueue_dma source(%dma_start3A_60 : memref<6272xf32, #tpu.memory_space<hbm>>) target(%dma_start3A_59 : memref<6272xf32, #tpu.memory_space<vmem_shared>>) target_semaphore(%arg33 : memref<!tpu.dma_semaphore, #tpu.memory_space<semaphore_mem>>)
      %dma_wait3A_61 = tpu.memref_slice %arg27[%mul3A_58] : memref<100352xf32, #tpu.memory_space<vmem_shared>> -> memref<6272xf32, #tpu.memory_space<vmem_shared>>
      %dma_wait3A_62 = tpu.memref_slice %arg8[%mul3A_56] : memref<100352xf32, #tpu.memory_space<hbm>> -> memref<6272xf32, #tpu.memory_space<hbm>>
      tpu.wait_dma2 semaphore(%arg33 : memref<!tpu.dma_semaphore, #tpu.memory_space<semaphore_mem>>) src(%dma_wait3A_62 : memref<6272xf32, #tpu.memory_space<hbm>>) dst(%dma_wait3A_61 : memref<6272xf32, #tpu.memory_space<vmem_shared>>)
      %mul3A_63 = arith.constant 6272 : i32
      %mul3A_64 = arith.muli %arg1, %mul3A_63 : i32
      %mul3A_65 = arith.constant 6272 : i32
      %mul3A_66 = arith.muli %arg1, %mul3A_65 : i32
      %dma_start3A_67 = tpu.memref_slice %arg28[%mul3A_66] : memref<100352xf32, #tpu.memory_space<vmem_shared>> -> memref<6272xf32, #tpu.memory_space<vmem_shared>>
      %dma_start3A_68 = tpu.memref_slice %arg8[%mul3A_64] : memref<100352xf32, #tpu.memory_space<hbm>> -> memref<6272xf32, #tpu.memory_space<hbm>>
      tpu.enqueue_dma source(%dma_start3A_68 : memref<6272xf32, #tpu.memory_space<hbm>>) target(%dma_start3A_67 : memref<6272xf32, #tpu.memory_space<vmem_shared>>) target_semaphore(%arg33 : memref<!tpu.dma_semaphore, #tpu.memory_space<semaphore_mem>>)
      %dma_wait3A_69 = tpu.memref_slice %arg28[%mul3A_66] : memref<100352xf32, #tpu.memory_space<vmem_shared>> -> memref<6272xf32, #tpu.memory_space<vmem_shared>>
      %dma_wait3A_70 = tpu.memref_slice %arg8[%mul3A_64] : memref<100352xf32, #tpu.memory_space<hbm>> -> memref<6272xf32, #tpu.memory_space<hbm>>
      tpu.wait_dma2 semaphore(%arg33 : memref<!tpu.dma_semaphore, #tpu.memory_space<semaphore_mem>>) src(%dma_wait3A_70 : memref<6272xf32, #tpu.memory_space<hbm>>) dst(%dma_wait3A_69 : memref<6272xf32, #tpu.memory_space<vmem_shared>>)
      %mul3A_71 = arith.constant 6272 : i32
      %mul3A_72 = arith.muli %arg1, %mul3A_71 : i32
      %mul3A_73 = arith.constant 6272 : i32
      %mul3A_74 = arith.muli %arg1, %mul3A_73 : i32
      %dma_start3A_75 = tpu.memref_slice %arg29[%mul3A_74] : memref<100352xf32, #tpu.memory_space<vmem_shared>> -> memref<6272xf32, #tpu.memory_space<vmem_shared>>
      %dma_start3A_76 = tpu.memref_slice %arg8[%mul3A_72] : memref<100352xf32, #tpu.memory_space<hbm>> -> memref<6272xf32, #tpu.memory_space<hbm>>
      tpu.enqueue_dma source(%dma_start3A_76 : memref<6272xf32, #tpu.memory_space<hbm>>) target(%dma_start3A_75 : memref<6272xf32, #tpu.memory_space<vmem_shared>>) target_semaphore(%arg33 : memref<!tpu.dma_semaphore, #tpu.memory_space<semaphore_mem>>)
      %dma_wait3A_77 = tpu.memref_slice %arg29[%mul3A_74] : memref<100352xf32, #tpu.memory_space<vmem_shared>> -> memref<6272xf32, #tpu.memory_space<vmem_shared>>
      %dma_wait3A_78 = tpu.memref_slice %arg8[%mul3A_72] : memref<100352xf32, #tpu.memory_space<hbm>> -> memref<6272xf32, #tpu.memory_space<hbm>>
      tpu.wait_dma2 semaphore(%arg33 : memref<!tpu.dma_semaphore, #tpu.memory_space<semaphore_mem>>) src(%dma_wait3A_78 : memref<6272xf32, #tpu.memory_space<hbm>>) dst(%dma_wait3A_77 : memref<6272xf32, #tpu.memory_space<vmem_shared>>)
      %mul3A_79 = arith.constant 6272 : i32
      %mul3A_80 = arith.muli %arg1, %mul3A_79 : i32
      %mul3A_81 = arith.constant 6272 : i32
      %mul3A_82 = arith.muli %arg1, %mul3A_81 : i32
      %dma_start3A_83 = tpu.memref_slice %arg30[%mul3A_82] : memref<100352xf32, #tpu.memory_space<vmem_shared>> -> memref<6272xf32, #tpu.memory_space<vmem_shared>>
      %dma_start3A_84 = tpu.memref_slice %arg8[%mul3A_80] : memref<100352xf32, #tpu.memory_space<hbm>> -> memref<6272xf32, #tpu.memory_space<hbm>>
      tpu.enqueue_dma source(%dma_start3A_84 : memref<6272xf32, #tpu.memory_space<hbm>>) target(%dma_start3A_83 : memref<6272xf32, #tpu.memory_space<vmem_shared>>) target_semaphore(%arg33 : memref<!tpu.dma_semaphore, #tpu.memory_space<semaphore_mem>>)
      %dma_wait3A_85 = tpu.memref_slice %arg30[%mul3A_82] : memref<100352xf32, #tpu.memory_space<vmem_shared>> -> memref<6272xf32, #tpu.memory_space<vmem_shared>>
      %dma_wait3A_86 = tpu.memref_slice %arg8[%mul3A_80] : memref<100352xf32, #tpu.memory_space<hbm>> -> memref<6272xf32, #tpu.memory_space<hbm>>
      tpu.wait_dma2 semaphore(%arg33 : memref<!tpu.dma_semaphore, #tpu.memory_space<semaphore_mem>>) src(%dma_wait3A_86 : memref<6272xf32, #tpu.memory_space<hbm>>) dst(%dma_wait3A_85 : memref<6272xf32, #tpu.memory_space<vmem_shared>>)
    } else {
    }
    %dma_wait3A = tpu.memref_slice %arg23[%mul3A_4] : memref<100352xf32, #tpu.memory_space<vmem_shared>> -> memref<6272xf32, #tpu.memory_space<vmem_shared>>
    %dma_wait3A_30 = tpu.memref_slice %arg4[%mul3A_2] : memref<100352xf32, #tpu.memory_space<hbm>> -> memref<6272xf32, #tpu.memory_space<hbm>>
    tpu.wait_dma2 semaphore(%arg32 : memref<!tpu.dma_semaphore, #tpu.memory_space<semaphore_mem>>) src(%dma_wait3A_30 : memref<6272xf32, #tpu.memory_space<hbm>>) dst(%dma_wait3A : memref<6272xf32, #tpu.memory_space<vmem_shared>>)
    %dma_wait3A_31 = tpu.memref_slice %arg24[%mul3A_9] : memref<100352xf32, #tpu.memory_space<vmem_shared>> -> memref<6272xf32, #tpu.memory_space<vmem_shared>>
    %dma_wait3A_32 = tpu.memref_slice %arg5[%mul3A_7] : memref<100352xf32, #tpu.memory_space<hbm>> -> memref<6272xf32, #tpu.memory_space<hbm>>
    tpu.wait_dma2 semaphore(%arg32 : memref<!tpu.dma_semaphore, #tpu.memory_space<semaphore_mem>>) src(%dma_wait3A_32 : memref<6272xf32, #tpu.memory_space<hbm>>) dst(%dma_wait3A_31 : memref<6272xf32, #tpu.memory_space<vmem_shared>>)
    %dma_wait3A_33 = tpu.memref_slice %arg25[%mul3A_15] : memref<100352xf32, #tpu.memory_space<vmem_shared>> -> memref<6272xf32, #tpu.memory_space<vmem_shared>>
    %dma_wait3A_34 = tpu.memref_slice %arg6[%mul3A_13] : memref<100352xf32, #tpu.memory_space<hbm>> -> memref<6272xf32, #tpu.memory_space<hbm>>
    tpu.wait_dma2 semaphore(%arg32 : memref<!tpu.dma_semaphore, #tpu.memory_space<semaphore_mem>>) src(%dma_wait3A_34 : memref<6272xf32, #tpu.memory_space<hbm>>) dst(%dma_wait3A_33 : memref<6272xf32, #tpu.memory_space<vmem_shared>>)
    %dma_wait3A_35 = tpu.memref_slice %arg26[%mul3A_21] : memref<100352xf32, #tpu.memory_space<vmem_shared>> -> memref<6272xf32, #tpu.memory_space<vmem_shared>>
    %dma_wait3A_36 = tpu.memref_slice %arg7[%mul3A_19] : memref<100352xf32, #tpu.memory_space<hbm>> -> memref<6272xf32, #tpu.memory_space<hbm>>
    tpu.wait_dma2 semaphore(%arg32 : memref<!tpu.dma_semaphore, #tpu.memory_space<semaphore_mem>>) src(%dma_wait3A_36 : memref<6272xf32, #tpu.memory_space<hbm>>) dst(%dma_wait3A_35 : memref<6272xf32, #tpu.memory_space<vmem_shared>>)
    %barrier3A = arith.constant 0 : index
    tpu.barrier barrier_id(%barrier3A)
    %mul3A_37 = arith.constant 50000 : i32
    %mul3A_38 = arith.muli %add3A, %mul3A_37 : i32
    %scan3A = arith.constant 0 : i32
    %scan3A_39 = arith.constant 0 : i32
    %scan3A_40 = arith.constant 5 : i32
    %scan3A_41 = arith.addi %scan3A_39, %scan3A_40 : i32
    %scan3A_42 = arith.constant 1 : i32
    scf.for %scan3A_55 = %scan3A_39 to %scan3A_41 step %scan3A_42  : i32 {
      %mul3A_56 = arith.constant 10000 : i32
      %mul3A_57 = arith.muli %scan3A_55, %mul3A_56 : i32
      %add3A_58 = arith.addi %mul3A_38, %mul3A_57 : i32
      %dma_start3A_59 = tpu.memref_slice %arg2[%add3A_58] : memref<1600000xi32, #tpu.memory_space<hbm>> -> memref<10000xi32, #tpu.memory_space<hbm>>
      %dma_start3A_60 = tpu.memref_slice %arg2[%add3A_58] : memref<1600000xi32, #tpu.memory_space<hbm>> -> memref<10000xi32, #tpu.memory_space<hbm>>
      tpu.enqueue_dma source(%dma_start3A_60 : memref<10000xi32, #tpu.memory_space<hbm>>) target(%arg17 : memref<10000xi32, #tpu.memory_space<vmem>>) target_semaphore(%arg31 : memref<!tpu.dma_semaphore, #tpu.memory_space<semaphore_mem>>)
      %dma_start3A_61 = tpu.memref_slice %arg3[%add3A_58] : memref<1600000xi32, #tpu.memory_space<hbm>> -> memref<10000xi32, #tpu.memory_space<hbm>>
      %dma_start3A_62 = tpu.memref_slice %arg3[%add3A_58] : memref<1600000xi32, #tpu.memory_space<hbm>> -> memref<10000xi32, #tpu.memory_space<hbm>>
      tpu.enqueue_dma source(%dma_start3A_62 : memref<10000xi32, #tpu.memory_space<hbm>>) target(%arg18 : memref<10000xi32, #tpu.memory_space<vmem>>) target_semaphore(%arg31 : memref<!tpu.dma_semaphore, #tpu.memory_space<semaphore_mem>>)
      %dma_wait3A_63 = tpu.memref_slice %arg2[%add3A_58] : memref<1600000xi32, #tpu.memory_space<hbm>> -> memref<10000xi32, #tpu.memory_space<hbm>>
      %dma_wait3A_64 = tpu.memref_slice %arg2[%add3A_58] : memref<1600000xi32, #tpu.memory_space<hbm>> -> memref<10000xi32, #tpu.memory_space<hbm>>
      tpu.wait_dma2 semaphore(%arg31 : memref<!tpu.dma_semaphore, #tpu.memory_space<semaphore_mem>>) src(%dma_wait3A_64 : memref<10000xi32, #tpu.memory_space<hbm>>) dst(%arg17 : memref<10000xi32, #tpu.memory_space<vmem>>)
      %dma_wait3A_65 = tpu.memref_slice %arg3[%add3A_58] : memref<1600000xi32, #tpu.memory_space<hbm>> -> memref<10000xi32, #tpu.memory_space<hbm>>
      %dma_wait3A_66 = tpu.memref_slice %arg3[%add3A_58] : memref<1600000xi32, #tpu.memory_space<hbm>> -> memref<10000xi32, #tpu.memory_space<hbm>>
      tpu.wait_dma2 semaphore(%arg31 : memref<!tpu.dma_semaphore, #tpu.memory_space<semaphore_mem>>) src(%dma_wait3A_66 : memref<10000xi32, #tpu.memory_space<hbm>>) dst(%arg18 : memref<10000xi32, #tpu.memory_space<vmem>>)
      %dma_start3A_67 = arith.constant 0 : i32
      %dma_start3A_68 = tpu.memref_slice %arg23[%dma_start3A_67] : memref<100352xf32, #tpu.memory_space<vmem_shared>> -> memref<100352xf32, #tpu.memory_space<vmem_shared>>
      tpu.enqueue_indirect_dma source(%dma_start3A_68 : memref<100352xf32, #tpu.memory_space<vmem_shared>>) target(%arg19 : memref<10000xf32, #tpu.memory_space<vmem>>) offsets(%arg17 : memref<10000xi32, #tpu.memory_space<vmem>>) semaphore(%arg32 : memref<!tpu.dma_semaphore, #tpu.memory_space<semaphore_mem>>)
      %dma_start3A_69 = arith.constant 0 : i32
      %dma_start3A_70 = tpu.memref_slice %arg24[%dma_start3A_69] : memref<100352xf32, #tpu.memory_space<vmem_shared>> -> memref<100352xf32, #tpu.memory_space<vmem_shared>>
      tpu.enqueue_indirect_dma source(%dma_start3A_70 : memref<100352xf32, #tpu.memory_space<vmem_shared>>) target(%arg20 : memref<10000xf32, #tpu.memory_space<vmem>>) offsets(%arg17 : memref<10000xi32, #tpu.memory_space<vmem>>) semaphore(%arg32 : memref<!tpu.dma_semaphore, #tpu.memory_space<semaphore_mem>>)
      %dma_start3A_71 = arith.constant 0 : i32
      %dma_start3A_72 = tpu.memref_slice %arg25[%dma_start3A_71] : memref<100352xf32, #tpu.memory_space<vmem_shared>> -> memref<100352xf32, #tpu.memory_space<vmem_shared>>
      tpu.enqueue_indirect_dma source(%dma_start3A_72 : memref<100352xf32, #tpu.memory_space<vmem_shared>>) target(%arg21 : memref<10000xf32, #tpu.memory_space<vmem>>) offsets(%arg17 : memref<10000xi32, #tpu.memory_space<vmem>>) semaphore(%arg32 : memref<!tpu.dma_semaphore, #tpu.memory_space<semaphore_mem>>)
      %dma_start3A_73 = arith.constant 0 : i32
      %dma_start3A_74 = tpu.memref_slice %arg26[%dma_start3A_73] : memref<100352xf32, #tpu.memory_space<vmem_shared>> -> memref<100352xf32, #tpu.memory_space<vmem_shared>>
      tpu.enqueue_indirect_dma source(%dma_start3A_74 : memref<100352xf32, #tpu.memory_space<vmem_shared>>) target(%arg22 : memref<10000xf32, #tpu.memory_space<vmem>>) offsets(%arg17 : memref<10000xi32, #tpu.memory_space<vmem>>) semaphore(%arg32 : memref<!tpu.dma_semaphore, #tpu.memory_space<semaphore_mem>>)
      %dma_wait3A_75 = arith.constant 0 : i32
      %dma_wait3A_76 = tpu.memref_slice %arg23[%dma_wait3A_75] : memref<100352xf32, #tpu.memory_space<vmem_shared>> -> memref<100352xf32, #tpu.memory_space<vmem_shared>>
      tpu.wait_indirect_dma semaphore(%arg32 : memref<!tpu.dma_semaphore, #tpu.memory_space<semaphore_mem>>) src(%dma_wait3A_76 : memref<100352xf32, #tpu.memory_space<vmem_shared>>) dst(%arg19 : memref<10000xf32, #tpu.memory_space<vmem>>)
      %dma_wait3A_77 = arith.constant 0 : i32
      %dma_wait3A_78 = tpu.memref_slice %arg24[%dma_wait3A_77] : memref<100352xf32, #tpu.memory_space<vmem_shared>> -> memref<100352xf32, #tpu.memory_space<vmem_shared>>
      tpu.wait_indirect_dma semaphore(%arg32 : memref<!tpu.dma_semaphore, #tpu.memory_space<semaphore_mem>>) src(%dma_wait3A_78 : memref<100352xf32, #tpu.memory_space<vmem_shared>>) dst(%arg20 : memref<10000xf32, #tpu.memory_space<vmem>>)
      %dma_wait3A_79 = arith.constant 0 : i32
      %dma_wait3A_80 = tpu.memref_slice %arg25[%dma_wait3A_79] : memref<100352xf32, #tpu.memory_space<vmem_shared>> -> memref<100352xf32, #tpu.memory_space<vmem_shared>>
      tpu.wait_indirect_dma semaphore(%arg32 : memref<!tpu.dma_semaphore, #tpu.memory_space<semaphore_mem>>) src(%dma_wait3A_80 : memref<100352xf32, #tpu.memory_space<vmem_shared>>) dst(%arg21 : memref<10000xf32, #tpu.memory_space<vmem>>)
      %dma_wait3A_81 = arith.constant 0 : i32
      %dma_wait3A_82 = tpu.memref_slice %arg26[%dma_wait3A_81] : memref<100352xf32, #tpu.memory_space<vmem_shared>> -> memref<100352xf32, #tpu.memory_space<vmem_shared>>
      tpu.wait_indirect_dma semaphore(%arg32 : memref<!tpu.dma_semaphore, #tpu.memory_space<semaphore_mem>>) src(%dma_wait3A_82 : memref<100352xf32, #tpu.memory_space<vmem_shared>>) dst(%arg22 : memref<10000xf32, #tpu.memory_space<vmem>>)
      %dma_start3A_83 = arith.constant 0 : i32
      %dma_start3A_84 = tpu.memref_slice %arg27[%dma_start3A_83] : memref<100352xf32, #tpu.memory_space<vmem_shared>> -> memref<100352xf32, #tpu.memory_space<vmem_shared>>
      tpu.enqueue_indirect_dma source(%arg19 : memref<10000xf32, #tpu.memory_space<vmem>>) target(%dma_start3A_84 : memref<100352xf32, #tpu.memory_space<vmem_shared>>) offsets(%arg18 : memref<10000xi32, #tpu.memory_space<vmem>>) semaphore(%arg33 : memref<!tpu.dma_semaphore, #tpu.memory_space<semaphore_mem>>) {add = true}
      %dma_start3A_85 = arith.constant 0 : i32
      %dma_start3A_86 = tpu.memref_slice %arg28[%dma_start3A_85] : memref<100352xf32, #tpu.memory_space<vmem_shared>> -> memref<100352xf32, #tpu.memory_space<vmem_shared>>
      tpu.enqueue_indirect_dma source(%arg20 : memref<10000xf32, #tpu.memory_space<vmem>>) target(%dma_start3A_86 : memref<100352xf32, #tpu.memory_space<vmem_shared>>) offsets(%arg18 : memref<10000xi32, #tpu.memory_space<vmem>>) semaphore(%arg33 : memref<!tpu.dma_semaphore, #tpu.memory_space<semaphore_mem>>) {add = true}
      %dma_start3A_87 = arith.constant 0 : i32
      %dma_start3A_88 = tpu.memref_slice %arg29[%dma_start3A_87] : memref<100352xf32, #tpu.memory_space<vmem_shared>> -> memref<100352xf32, #tpu.memory_space<vmem_shared>>
      tpu.enqueue_indirect_dma source(%arg21 : memref<10000xf32, #tpu.memory_space<vmem>>) target(%dma_start3A_88 : memref<100352xf32, #tpu.memory_space<vmem_shared>>) offsets(%arg18 : memref<10000xi32, #tpu.memory_space<vmem>>) semaphore(%arg33 : memref<!tpu.dma_semaphore, #tpu.memory_space<semaphore_mem>>) {add = true}
      %dma_start3A_89 = arith.constant 0 : i32
      %dma_start3A_90 = tpu.memref_slice %arg30[%dma_start3A_89] : memref<100352xf32, #tpu.memory_space<vmem_shared>> -> memref<100352xf32, #tpu.memory_space<vmem_shared>>
      tpu.enqueue_indirect_dma source(%arg22 : memref<10000xf32, #tpu.memory_space<vmem>>) target(%dma_start3A_90 : memref<100352xf32, #tpu.memory_space<vmem_shared>>) offsets(%arg18 : memref<10000xi32, #tpu.memory_space<vmem>>) semaphore(%arg33 : memref<!tpu.dma_semaphore, #tpu.memory_space<semaphore_mem>>) {add = true}
      %dma_wait3A_91 = arith.constant 0 : i32
      %dma_wait3A_92 = tpu.memref_slice %arg27[%dma_wait3A_91] : memref<100352xf32, #tpu.memory_space<vmem_shared>> -> memref<100352xf32, #tpu.memory_space<vmem_shared>>
      tpu.wait_indirect_dma semaphore(%arg33 : memref<!tpu.dma_semaphore, #tpu.memory_space<semaphore_mem>>) src(%arg19 : memref<10000xf32, #tpu.memory_space<vmem>>) dst(%dma_wait3A_92 : memref<100352xf32, #tpu.memory_space<vmem_shared>>)
      %dma_wait3A_93 = arith.constant 0 : i32
      %dma_wait3A_94 = tpu.memref_slice %arg28[%dma_wait3A_93] : memref<100352xf32, #tpu.memory_space<vmem_shared>> -> memref<100352xf32, #tpu.memory_space<vmem_shared>>
      tpu.wait_indirect_dma semaphore(%arg33 : memref<!tpu.dma_semaphore, #tpu.memory_space<semaphore_mem>>) src(%arg20 : memref<10000xf32, #tpu.memory_space<vmem>>) dst(%dma_wait3A_94 : memref<100352xf32, #tpu.memory_space<vmem_shared>>)
      %dma_wait3A_95 = arith.constant 0 : i32
      %dma_wait3A_96 = tpu.memref_slice %arg29[%dma_wait3A_95] : memref<100352xf32, #tpu.memory_space<vmem_shared>> -> memref<100352xf32, #tpu.memory_space<vmem_shared>>
      tpu.wait_indirect_dma semaphore(%arg33 : memref<!tpu.dma_semaphore, #tpu.memory_space<semaphore_mem>>) src(%arg21 : memref<10000xf32, #tpu.memory_space<vmem>>) dst(%dma_wait3A_96 : memref<100352xf32, #tpu.memory_space<vmem_shared>>)
      %dma_wait3A_97 = arith.constant 0 : i32
      %dma_wait3A_98 = tpu.memref_slice %arg30[%dma_wait3A_97] : memref<100352xf32, #tpu.memory_space<vmem_shared>> -> memref<100352xf32, #tpu.memory_space<vmem_shared>>
      tpu.wait_indirect_dma semaphore(%arg33 : memref<!tpu.dma_semaphore, #tpu.memory_space<semaphore_mem>>) src(%arg22 : memref<10000xf32, #tpu.memory_space<vmem>>) dst(%dma_wait3A_98 : memref<100352xf32, #tpu.memory_space<vmem_shared>>)
    }
    %scan3A_43 = arith.constant 5 : i32
    %barrier3A_44 = arith.constant 0 : index
    tpu.barrier barrier_id(%barrier3A_44)
    %eq3A_45 = arith.constant 0 : i32
    %eq3A_46 = arith.cmpi eq, %arg0, %eq3A_45 : i32
    %convert_element_type3A_47 = arith.extui %eq3A_46 : i1 to i32
    %cond3A_48 = arith.constant 0 : i32
    %cond3A_49 = arith.cmpi ne, %convert_element_type3A_47, %cond3A_48 : i32
    scf.if %cond3A_49 {
      %mul3A_55 = arith.constant 6272 : i32
      %mul3A_56 = arith.muli %arg1, %mul3A_55 : i32
      %mul3A_57 = arith.constant 6272 : i32
      %mul3A_58 = arith.muli %arg1, %mul3A_57 : i32
      %dma_start3A_59 = tpu.memref_slice %arg9[%mul3A_58] : memref<100352xf32, #tpu.memory_space<hbm>> -> memref<6272xf32, #tpu.memory_space<hbm>>
      %dma_start3A_60 = tpu.memref_slice %arg27[%mul3A_56] : memref<100352xf32, #tpu.memory_space<vmem_shared>> -> memref<6272xf32, #tpu.memory_space<vmem_shared>>
      tpu.enqueue_dma source(%dma_start3A_60 : memref<6272xf32, #tpu.memory_space<vmem_shared>>) target(%dma_start3A_59 : memref<6272xf32, #tpu.memory_space<hbm>>) target_semaphore(%arg32 : memref<!tpu.dma_semaphore, #tpu.memory_space<semaphore_mem>>)
      %dma_wait3A_61 = tpu.memref_slice %arg9[%mul3A_58] : memref<100352xf32, #tpu.memory_space<hbm>> -> memref<6272xf32, #tpu.memory_space<hbm>>
      %dma_wait3A_62 = tpu.memref_slice %arg27[%mul3A_56] : memref<100352xf32, #tpu.memory_space<vmem_shared>> -> memref<6272xf32, #tpu.memory_space<vmem_shared>>
      tpu.wait_dma2 semaphore(%arg32 : memref<!tpu.dma_semaphore, #tpu.memory_space<semaphore_mem>>) src(%dma_wait3A_62 : memref<6272xf32, #tpu.memory_space<vmem_shared>>) dst(%dma_wait3A_61 : memref<6272xf32, #tpu.memory_space<hbm>>)
      %mul3A_63 = arith.constant 6272 : i32
      %mul3A_64 = arith.muli %arg1, %mul3A_63 : i32
      %mul3A_65 = arith.constant 6272 : i32
      %mul3A_66 = arith.muli %arg1, %mul3A_65 : i32
      %dma_start3A_67 = tpu.memref_slice %arg10[%mul3A_66] : memref<100352xf32, #tpu.memory_space<hbm>> -> memref<6272xf32, #tpu.memory_space<hbm>>
      %dma_start3A_68 = tpu.memref_slice %arg28[%mul3A_64] : memref<100352xf32, #tpu.memory_space<vmem_shared>> -> memref<6272xf32, #tpu.memory_space<vmem_shared>>
      tpu.enqueue_dma source(%dma_start3A_68 : memref<6272xf32, #tpu.memory_space<vmem_shared>>) target(%dma_start3A_67 : memref<6272xf32, #tpu.memory_space<hbm>>) target_semaphore(%arg32 : memref<!tpu.dma_semaphore, #tpu.memory_space<semaphore_mem>>)
      %dma_wait3A_69 = tpu.memref_slice %arg10[%mul3A_66] : memref<100352xf32, #tpu.memory_space<hbm>> -> memref<6272xf32, #tpu.memory_space<hbm>>
      %dma_wait3A_70 = tpu.memref_slice %arg28[%mul3A_64] : memref<100352xf32, #tpu.memory_space<vmem_shared>> -> memref<6272xf32, #tpu.memory_space<vmem_shared>>
      tpu.wait_dma2 semaphore(%arg32 : memref<!tpu.dma_semaphore, #tpu.memory_space<semaphore_mem>>) src(%dma_wait3A_70 : memref<6272xf32, #tpu.memory_space<vmem_shared>>) dst(%dma_wait3A_69 : memref<6272xf32, #tpu.memory_space<hbm>>)
      %mul3A_71 = arith.constant 6272 : i32
      %mul3A_72 = arith.muli %arg1, %mul3A_71 : i32
      %mul3A_73 = arith.constant 6272 : i32
      %mul3A_74 = arith.muli %arg1, %mul3A_73 : i32
      %dma_start3A_75 = tpu.memref_slice %arg11[%mul3A_74] : memref<100352xf32, #tpu.memory_space<hbm>> -> memref<6272xf32, #tpu.memory_space<hbm>>
      %dma_start3A_76 = tpu.memref_slice %arg29[%mul3A_72] : memref<100352xf32, #tpu.memory_space<vmem_shared>> -> memref<6272xf32, #tpu.memory_space<vmem_shared>>
      tpu.enqueue_dma source(%dma_start3A_76 : memref<6272xf32, #tpu.memory_space<vmem_shared>>) target(%dma_start3A_75 : memref<6272xf32, #tpu.memory_space<hbm>>) target_semaphore(%arg32 : memref<!tpu.dma_semaphore, #tpu.memory_space<semaphore_mem>>)
      %dma_wait3A_77 = tpu.memref_slice %arg11[%mul3A_74] : memref<100352xf32, #tpu.memory_space<hbm>> -> memref<6272xf32, #tpu.memory_space<hbm>>
      %dma_wait3A_78 = tpu.memref_slice %arg29[%mul3A_72] : memref<100352xf32, #tpu.memory_space<vmem_shared>> -> memref<6272xf32, #tpu.memory_space<vmem_shared>>
      tpu.wait_dma2 semaphore(%arg32 : memref<!tpu.dma_semaphore, #tpu.memory_space<semaphore_mem>>) src(%dma_wait3A_78 : memref<6272xf32, #tpu.memory_space<vmem_shared>>) dst(%dma_wait3A_77 : memref<6272xf32, #tpu.memory_space<hbm>>)
      %mul3A_79 = arith.constant 6272 : i32
      %mul3A_80 = arith.muli %arg1, %mul3A_79 : i32
      %mul3A_81 = arith.constant 6272 : i32
      %mul3A_82 = arith.muli %arg1, %mul3A_81 : i32
      %dma_start3A_83 = tpu.memref_slice %arg12[%mul3A_82] : memref<100352xf32, #tpu.memory_space<hbm>> -> memref<6272xf32, #tpu.memory_space<hbm>>
      %dma_start3A_84 = tpu.memref_slice %arg30[%mul3A_80] : memref<100352xf32, #tpu.memory_space<vmem_shared>> -> memref<6272xf32, #tpu.memory_space<vmem_shared>>
      tpu.enqueue_dma source(%dma_start3A_84 : memref<6272xf32, #tpu.memory_space<vmem_shared>>) target(%dma_start3A_83 : memref<6272xf32, #tpu.memory_space<hbm>>) target_semaphore(%arg32 : memref<!tpu.dma_semaphore, #tpu.memory_space<semaphore_mem>>)
      %dma_wait3A_85 = tpu.memref_slice %arg12[%mul3A_82] : memref<100352xf32, #tpu.memory_space<hbm>> -> memref<6272xf32, #tpu.memory_space<hbm>>
      %dma_wait3A_86 = tpu.memref_slice %arg30[%mul3A_80] : memref<100352xf32, #tpu.memory_space<vmem_shared>> -> memref<6272xf32, #tpu.memory_space<vmem_shared>>
      tpu.wait_dma2 semaphore(%arg32 : memref<!tpu.dma_semaphore, #tpu.memory_space<semaphore_mem>>) src(%dma_wait3A_86 : memref<6272xf32, #tpu.memory_space<vmem_shared>>) dst(%dma_wait3A_85 : memref<6272xf32, #tpu.memory_space<hbm>>)
    } else {
    }
    %ne3A_50 = arith.constant 0 : i32
    %ne3A_51 = arith.cmpi ne, %arg0, %ne3A_50 : i32
    %convert_element_type3A_52 = arith.extui %ne3A_51 : i1 to i32
    %cond3A_53 = arith.constant 0 : i32
    %cond3A_54 = arith.cmpi ne, %convert_element_type3A_52, %cond3A_53 : i32
    scf.if %cond3A_54 {
      %mul3A_55 = arith.constant 6272 : i32
      %mul3A_56 = arith.muli %arg1, %mul3A_55 : i32
      %mul3A_57 = arith.constant 6272 : i32
      %mul3A_58 = arith.muli %arg1, %mul3A_57 : i32
      %dma_start3A_59 = tpu.memref_slice %arg13[%mul3A_58] : memref<100352xf32, #tpu.memory_space<hbm>> -> memref<6272xf32, #tpu.memory_space<hbm>>
      %dma_start3A_60 = tpu.memref_slice %arg27[%mul3A_56] : memref<100352xf32, #tpu.memory_space<vmem_shared>> -> memref<6272xf32, #tpu.memory_space<vmem_shared>>
      tpu.enqueue_dma source(%dma_start3A_60 : memref<6272xf32, #tpu.memory_space<vmem_shared>>) target(%dma_start3A_59 : memref<6272xf32, #tpu.memory_space<hbm>>) target_semaphore(%arg32 : memref<!tpu.dma_semaphore, #tpu.memory_space<semaphore_mem>>)
      %dma_wait3A_61 = tpu.memref_slice %arg13[%mul3A_58] : memref<100352xf32, #tpu.memory_space<hbm>> -> memref<6272xf32, #tpu.memory_space<hbm>>
      %dma_wait3A_62 = tpu.memref_slice %arg27[%mul3A_56] : memref<100352xf32, #tpu.memory_space<vmem_shared>> -> memref<6272xf32, #tpu.memory_space<vmem_shared>>
      tpu.wait_dma2 semaphore(%arg32 : memref<!tpu.dma_semaphore, #tpu.memory_space<semaphore_mem>>) src(%dma_wait3A_62 : memref<6272xf32, #tpu.memory_space<vmem_shared>>) dst(%dma_wait3A_61 : memref<6272xf32, #tpu.memory_space<hbm>>)
      %mul3A_63 = arith.constant 6272 : i32
      %mul3A_64 = arith.muli %arg1, %mul3A_63 : i32
      %mul3A_65 = arith.constant 6272 : i32
      %mul3A_66 = arith.muli %arg1, %mul3A_65 : i32
      %dma_start3A_67 = tpu.memref_slice %arg14[%mul3A_66] : memref<100352xf32, #tpu.memory_space<hbm>> -> memref<6272xf32, #tpu.memory_space<hbm>>
      %dma_start3A_68 = tpu.memref_slice %arg28[%mul3A_64] : memref<100352xf32, #tpu.memory_space<vmem_shared>> -> memref<6272xf32, #tpu.memory_space<vmem_shared>>
      tpu.enqueue_dma source(%dma_start3A_68 : memref<6272xf32, #tpu.memory_space<vmem_shared>>) target(%dma_start3A_67 : memref<6272xf32, #tpu.memory_space<hbm>>) target_semaphore(%arg32 : memref<!tpu.dma_semaphore, #tpu.memory_space<semaphore_mem>>)
      %dma_wait3A_69 = tpu.memref_slice %arg14[%mul3A_66] : memref<100352xf32, #tpu.memory_space<hbm>> -> memref<6272xf32, #tpu.memory_space<hbm>>
      %dma_wait3A_70 = tpu.memref_slice %arg28[%mul3A_64] : memref<100352xf32, #tpu.memory_space<vmem_shared>> -> memref<6272xf32, #tpu.memory_space<vmem_shared>>
      tpu.wait_dma2 semaphore(%arg32 : memref<!tpu.dma_semaphore, #tpu.memory_space<semaphore_mem>>) src(%dma_wait3A_70 : memref<6272xf32, #tpu.memory_space<vmem_shared>>) dst(%dma_wait3A_69 : memref<6272xf32, #tpu.memory_space<hbm>>)
      %mul3A_71 = arith.constant 6272 : i32
      %mul3A_72 = arith.muli %arg1, %mul3A_71 : i32
      %mul3A_73 = arith.constant 6272 : i32
      %mul3A_74 = arith.muli %arg1, %mul3A_73 : i32
      %dma_start3A_75 = tpu.memref_slice %arg15[%mul3A_74] : memref<100352xf32, #tpu.memory_space<hbm>> -> memref<6272xf32, #tpu.memory_space<hbm>>
      %dma_start3A_76 = tpu.memref_slice %arg29[%mul3A_72] : memref<100352xf32, #tpu.memory_space<vmem_shared>> -> memref<6272xf32, #tpu.memory_space<vmem_shared>>
      tpu.enqueue_dma source(%dma_start3A_76 : memref<6272xf32, #tpu.memory_space<vmem_shared>>) target(%dma_start3A_75 : memref<6272xf32, #tpu.memory_space<hbm>>) target_semaphore(%arg32 : memref<!tpu.dma_semaphore, #tpu.memory_space<semaphore_mem>>)
      %dma_wait3A_77 = tpu.memref_slice %arg15[%mul3A_74] : memref<100352xf32, #tpu.memory_space<hbm>> -> memref<6272xf32, #tpu.memory_space<hbm>>
      %dma_wait3A_78 = tpu.memref_slice %arg29[%mul3A_72] : memref<100352xf32, #tpu.memory_space<vmem_shared>> -> memref<6272xf32, #tpu.memory_space<vmem_shared>>
      tpu.wait_dma2 semaphore(%arg32 : memref<!tpu.dma_semaphore, #tpu.memory_space<semaphore_mem>>) src(%dma_wait3A_78 : memref<6272xf32, #tpu.memory_space<vmem_shared>>) dst(%dma_wait3A_77 : memref<6272xf32, #tpu.memory_space<hbm>>)
      %mul3A_79 = arith.constant 6272 : i32
      %mul3A_80 = arith.muli %arg1, %mul3A_79 : i32
      %mul3A_81 = arith.constant 6272 : i32
      %mul3A_82 = arith.muli %arg1, %mul3A_81 : i32
      %dma_start3A_83 = tpu.memref_slice %arg16[%mul3A_82] : memref<100352xf32, #tpu.memory_space<hbm>> -> memref<6272xf32, #tpu.memory_space<hbm>>
      %dma_start3A_84 = tpu.memref_slice %arg30[%mul3A_80] : memref<100352xf32, #tpu.memory_space<vmem_shared>> -> memref<6272xf32, #tpu.memory_space<vmem_shared>>
      tpu.enqueue_dma source(%dma_start3A_84 : memref<6272xf32, #tpu.memory_space<vmem_shared>>) target(%dma_start3A_83 : memref<6272xf32, #tpu.memory_space<hbm>>) target_semaphore(%arg32 : memref<!tpu.dma_semaphore, #tpu.memory_space<semaphore_mem>>)
      %dma_wait3A_85 = tpu.memref_slice %arg16[%mul3A_82] : memref<100352xf32, #tpu.memory_space<hbm>> -> memref<6272xf32, #tpu.memory_space<hbm>>
      %dma_wait3A_86 = tpu.memref_slice %arg30[%mul3A_80] : memref<100352xf32, #tpu.memory_space<vmem_shared>> -> memref<6272xf32, #tpu.memory_space<vmem_shared>>
      tpu.wait_dma2 semaphore(%arg32 : memref<!tpu.dma_semaphore, #tpu.memory_space<semaphore_mem>>) src(%dma_wait3A_86 : memref<6272xf32, #tpu.memory_space<vmem_shared>>) dst(%dma_wait3A_85 : memref<6272xf32, #tpu.memory_space<hbm>>)
    } else {
    }
    return
  }
}

#map = affine_map<(d0, d1) -> (0)>
module attributes {stable_mosaic.version = 14 : i64} {
  func.func @_mp_body(%arg0: i32, %arg1: i32, %arg2: memref<1600000xi32, #tpu.memory_space<hbm>>, %arg3: memref<1600000xi32, #tpu.memory_space<hbm>>, %arg4: memref<100352xf32, #tpu.memory_space<hbm>>, %arg5: memref<100352xf32, #tpu.memory_space<hbm>>, %arg6: memref<100352xf32, #tpu.memory_space<hbm>>, %arg7: memref<100352xf32, #tpu.memory_space<hbm>>, %arg8: memref<100352xf32, #tpu.memory_space<hbm>>, %arg9: memref<100352xf32, #tpu.memory_space<hbm>>, %arg10: memref<100352xf32, #tpu.memory_space<hbm>>, %arg11: memref<25000xi32, #tpu.memory_space<vmem>>, %arg12: memref<25000xi32, #tpu.memory_space<vmem>>, %arg13: memref<25000xf32, #tpu.memory_space<vmem>>, %arg14: memref<25000xf32, #tpu.memory_space<vmem>>, %arg15: memref<100352xf32, #tpu.memory_space<vmem_shared>>, %arg16: memref<100352xf32, #tpu.memory_space<vmem_shared>>, %arg17: memref<100352xf32, #tpu.memory_space<vmem_shared>>, %arg18: memref<100352xf32, #tpu.memory_space<vmem_shared>>, %arg19: memref<!tpu.dma_semaphore, #tpu.memory_space<semaphore_mem>>, %arg20: memref<!tpu.dma_semaphore, #tpu.memory_space<semaphore_mem>>, %arg21: memref<!tpu.dma_semaphore, #tpu.memory_space<semaphore_mem>>) attributes {dimension_semantics = [#tpu.dimension_semantics<core_parallel>, #tpu.dimension_semantics<subcore_parallel>], iteration_bounds = array<i64: 2, 16>, scalar_prefetch = 0 : i64, scratch_operands = 11 : i64, tpu.core_type = #tpu.core_type<sc_vector_subcore>, window_params = [{transform_indices = #map}, {transform_indices = #map}, {transform_indices = #map}, {transform_indices = #map}, {transform_indices = #map}, {transform_indices = #map}, {transform_indices = #map}, {transform_indices = #map}, {transform_indices = #map}]} {
    %mul3A = arith.constant 16 : i32
    %mul3A_0 = arith.muli %arg0, %mul3A : i32
    %add3A = arith.addi %mul3A_0, %arg1 : i32
    %mul3A_1 = arith.constant 6272 : i32
    %mul3A_2 = arith.muli %arg1, %mul3A_1 : i32
    %mul3A_3 = arith.constant 6272 : i32
    %mul3A_4 = arith.muli %arg1, %mul3A_3 : i32
    %dma_start3A = tpu.memref_slice %arg15[%mul3A_4] : memref<100352xf32, #tpu.memory_space<vmem_shared>> -> memref<6272xf32, #tpu.memory_space<vmem_shared>>
    %dma_start3A_5 = tpu.memref_slice %arg4[%mul3A_2] : memref<100352xf32, #tpu.memory_space<hbm>> -> memref<6272xf32, #tpu.memory_space<hbm>>
    tpu.enqueue_dma source(%dma_start3A_5 : memref<6272xf32, #tpu.memory_space<hbm>>) target(%dma_start3A : memref<6272xf32, #tpu.memory_space<vmem_shared>>) target_semaphore(%arg20 : memref<!tpu.dma_semaphore, #tpu.memory_space<semaphore_mem>>)
    %mul3A_6 = arith.constant 6272 : i32
    %mul3A_7 = arith.muli %arg1, %mul3A_6 : i32
    %mul3A_8 = arith.constant 6272 : i32
    %mul3A_9 = arith.muli %arg1, %mul3A_8 : i32
    %dma_start3A_10 = tpu.memref_slice %arg16[%mul3A_9] : memref<100352xf32, #tpu.memory_space<vmem_shared>> -> memref<6272xf32, #tpu.memory_space<vmem_shared>>
    %dma_start3A_11 = tpu.memref_slice %arg5[%mul3A_7] : memref<100352xf32, #tpu.memory_space<hbm>> -> memref<6272xf32, #tpu.memory_space<hbm>>
    tpu.enqueue_dma source(%dma_start3A_11 : memref<6272xf32, #tpu.memory_space<hbm>>) target(%dma_start3A_10 : memref<6272xf32, #tpu.memory_space<vmem_shared>>) target_semaphore(%arg20 : memref<!tpu.dma_semaphore, #tpu.memory_space<semaphore_mem>>)
    %eq3A = arith.constant 0 : i32
    %eq3A_12 = arith.cmpi eq, %arg0, %eq3A : i32
    %convert_element_type3A = arith.extui %eq3A_12 : i1 to i32
    %cond3A = arith.constant 0 : i32
    %cond3A_13 = arith.cmpi ne, %convert_element_type3A, %cond3A : i32
    scf.if %cond3A_13 {
      %mul3A_39 = arith.constant 6272 : i32
      %mul3A_40 = arith.muli %arg1, %mul3A_39 : i32
      %mul3A_41 = arith.constant 6272 : i32
      %mul3A_42 = arith.muli %arg1, %mul3A_41 : i32
      %dma_start3A_43 = tpu.memref_slice %arg17[%mul3A_42] : memref<100352xf32, #tpu.memory_space<vmem_shared>> -> memref<6272xf32, #tpu.memory_space<vmem_shared>>
      %dma_start3A_44 = tpu.memref_slice %arg4[%mul3A_40] : memref<100352xf32, #tpu.memory_space<hbm>> -> memref<6272xf32, #tpu.memory_space<hbm>>
      tpu.enqueue_dma source(%dma_start3A_44 : memref<6272xf32, #tpu.memory_space<hbm>>) target(%dma_start3A_43 : memref<6272xf32, #tpu.memory_space<vmem_shared>>) target_semaphore(%arg21 : memref<!tpu.dma_semaphore, #tpu.memory_space<semaphore_mem>>)
      %dma_wait3A_45 = tpu.memref_slice %arg17[%mul3A_42] : memref<100352xf32, #tpu.memory_space<vmem_shared>> -> memref<6272xf32, #tpu.memory_space<vmem_shared>>
      %dma_wait3A_46 = tpu.memref_slice %arg4[%mul3A_40] : memref<100352xf32, #tpu.memory_space<hbm>> -> memref<6272xf32, #tpu.memory_space<hbm>>
      tpu.wait_dma2 semaphore(%arg21 : memref<!tpu.dma_semaphore, #tpu.memory_space<semaphore_mem>>) src(%dma_wait3A_46 : memref<6272xf32, #tpu.memory_space<hbm>>) dst(%dma_wait3A_45 : memref<6272xf32, #tpu.memory_space<vmem_shared>>)
      %mul3A_47 = arith.constant 6272 : i32
      %mul3A_48 = arith.muli %arg1, %mul3A_47 : i32
      %mul3A_49 = arith.constant 6272 : i32
      %mul3A_50 = arith.muli %arg1, %mul3A_49 : i32
      %dma_start3A_51 = tpu.memref_slice %arg18[%mul3A_50] : memref<100352xf32, #tpu.memory_space<vmem_shared>> -> memref<6272xf32, #tpu.memory_space<vmem_shared>>
      %dma_start3A_52 = tpu.memref_slice %arg5[%mul3A_48] : memref<100352xf32, #tpu.memory_space<hbm>> -> memref<6272xf32, #tpu.memory_space<hbm>>
      tpu.enqueue_dma source(%dma_start3A_52 : memref<6272xf32, #tpu.memory_space<hbm>>) target(%dma_start3A_51 : memref<6272xf32, #tpu.memory_space<vmem_shared>>) target_semaphore(%arg21 : memref<!tpu.dma_semaphore, #tpu.memory_space<semaphore_mem>>)
      %dma_wait3A_53 = tpu.memref_slice %arg18[%mul3A_50] : memref<100352xf32, #tpu.memory_space<vmem_shared>> -> memref<6272xf32, #tpu.memory_space<vmem_shared>>
      %dma_wait3A_54 = tpu.memref_slice %arg5[%mul3A_48] : memref<100352xf32, #tpu.memory_space<hbm>> -> memref<6272xf32, #tpu.memory_space<hbm>>
      tpu.wait_dma2 semaphore(%arg21 : memref<!tpu.dma_semaphore, #tpu.memory_space<semaphore_mem>>) src(%dma_wait3A_54 : memref<6272xf32, #tpu.memory_space<hbm>>) dst(%dma_wait3A_53 : memref<6272xf32, #tpu.memory_space<vmem_shared>>)
    } else {
    }
    %ne3A = arith.constant 0 : i32
    %ne3A_14 = arith.cmpi ne, %arg0, %ne3A : i32
    %convert_element_type3A_15 = arith.extui %ne3A_14 : i1 to i32
    %cond3A_16 = arith.constant 0 : i32
    %cond3A_17 = arith.cmpi ne, %convert_element_type3A_15, %cond3A_16 : i32
    scf.if %cond3A_17 {
      %mul3A_39 = arith.constant 6272 : i32
      %mul3A_40 = arith.muli %arg1, %mul3A_39 : i32
      %mul3A_41 = arith.constant 6272 : i32
      %mul3A_42 = arith.muli %arg1, %mul3A_41 : i32
      %dma_start3A_43 = tpu.memref_slice %arg17[%mul3A_42] : memref<100352xf32, #tpu.memory_space<vmem_shared>> -> memref<6272xf32, #tpu.memory_space<vmem_shared>>
      %dma_start3A_44 = tpu.memref_slice %arg6[%mul3A_40] : memref<100352xf32, #tpu.memory_space<hbm>> -> memref<6272xf32, #tpu.memory_space<hbm>>
      tpu.enqueue_dma source(%dma_start3A_44 : memref<6272xf32, #tpu.memory_space<hbm>>) target(%dma_start3A_43 : memref<6272xf32, #tpu.memory_space<vmem_shared>>) target_semaphore(%arg21 : memref<!tpu.dma_semaphore, #tpu.memory_space<semaphore_mem>>)
      %dma_wait3A_45 = tpu.memref_slice %arg17[%mul3A_42] : memref<100352xf32, #tpu.memory_space<vmem_shared>> -> memref<6272xf32, #tpu.memory_space<vmem_shared>>
      %dma_wait3A_46 = tpu.memref_slice %arg6[%mul3A_40] : memref<100352xf32, #tpu.memory_space<hbm>> -> memref<6272xf32, #tpu.memory_space<hbm>>
      tpu.wait_dma2 semaphore(%arg21 : memref<!tpu.dma_semaphore, #tpu.memory_space<semaphore_mem>>) src(%dma_wait3A_46 : memref<6272xf32, #tpu.memory_space<hbm>>) dst(%dma_wait3A_45 : memref<6272xf32, #tpu.memory_space<vmem_shared>>)
      %mul3A_47 = arith.constant 6272 : i32
      %mul3A_48 = arith.muli %arg1, %mul3A_47 : i32
      %mul3A_49 = arith.constant 6272 : i32
      %mul3A_50 = arith.muli %arg1, %mul3A_49 : i32
      %dma_start3A_51 = tpu.memref_slice %arg18[%mul3A_50] : memref<100352xf32, #tpu.memory_space<vmem_shared>> -> memref<6272xf32, #tpu.memory_space<vmem_shared>>
      %dma_start3A_52 = tpu.memref_slice %arg6[%mul3A_48] : memref<100352xf32, #tpu.memory_space<hbm>> -> memref<6272xf32, #tpu.memory_space<hbm>>
      tpu.enqueue_dma source(%dma_start3A_52 : memref<6272xf32, #tpu.memory_space<hbm>>) target(%dma_start3A_51 : memref<6272xf32, #tpu.memory_space<vmem_shared>>) target_semaphore(%arg21 : memref<!tpu.dma_semaphore, #tpu.memory_space<semaphore_mem>>)
      %dma_wait3A_53 = tpu.memref_slice %arg18[%mul3A_50] : memref<100352xf32, #tpu.memory_space<vmem_shared>> -> memref<6272xf32, #tpu.memory_space<vmem_shared>>
      %dma_wait3A_54 = tpu.memref_slice %arg6[%mul3A_48] : memref<100352xf32, #tpu.memory_space<hbm>> -> memref<6272xf32, #tpu.memory_space<hbm>>
      tpu.wait_dma2 semaphore(%arg21 : memref<!tpu.dma_semaphore, #tpu.memory_space<semaphore_mem>>) src(%dma_wait3A_54 : memref<6272xf32, #tpu.memory_space<hbm>>) dst(%dma_wait3A_53 : memref<6272xf32, #tpu.memory_space<vmem_shared>>)
    } else {
    }
    %dma_wait3A = tpu.memref_slice %arg15[%mul3A_4] : memref<100352xf32, #tpu.memory_space<vmem_shared>> -> memref<6272xf32, #tpu.memory_space<vmem_shared>>
    %dma_wait3A_18 = tpu.memref_slice %arg4[%mul3A_2] : memref<100352xf32, #tpu.memory_space<hbm>> -> memref<6272xf32, #tpu.memory_space<hbm>>
    tpu.wait_dma2 semaphore(%arg20 : memref<!tpu.dma_semaphore, #tpu.memory_space<semaphore_mem>>) src(%dma_wait3A_18 : memref<6272xf32, #tpu.memory_space<hbm>>) dst(%dma_wait3A : memref<6272xf32, #tpu.memory_space<vmem_shared>>)
    %dma_wait3A_19 = tpu.memref_slice %arg16[%mul3A_9] : memref<100352xf32, #tpu.memory_space<vmem_shared>> -> memref<6272xf32, #tpu.memory_space<vmem_shared>>
    %dma_wait3A_20 = tpu.memref_slice %arg5[%mul3A_7] : memref<100352xf32, #tpu.memory_space<hbm>> -> memref<6272xf32, #tpu.memory_space<hbm>>
    tpu.wait_dma2 semaphore(%arg20 : memref<!tpu.dma_semaphore, #tpu.memory_space<semaphore_mem>>) src(%dma_wait3A_20 : memref<6272xf32, #tpu.memory_space<hbm>>) dst(%dma_wait3A_19 : memref<6272xf32, #tpu.memory_space<vmem_shared>>)
    %barrier3A = arith.constant 0 : index
    tpu.barrier barrier_id(%barrier3A)
    %mul3A_21 = arith.constant 50000 : i32
    %mul3A_22 = arith.muli %add3A, %mul3A_21 : i32
    %scan3A = arith.constant 0 : i32
    %scan3A_23 = arith.constant 0 : i32
    %scan3A_24 = arith.constant 2 : i32
    %scan3A_25 = arith.addi %scan3A_23, %scan3A_24 : i32
    %scan3A_26 = arith.constant 1 : i32
    scf.for %scan3A_39 = %scan3A_23 to %scan3A_25 step %scan3A_26  : i32 {
      %mul3A_40 = arith.constant 25000 : i32
      %mul3A_41 = arith.muli %scan3A_39, %mul3A_40 : i32
      %add3A_42 = arith.addi %mul3A_22, %mul3A_41 : i32
      %dma_start3A_43 = tpu.memref_slice %arg2[%add3A_42] : memref<1600000xi32, #tpu.memory_space<hbm>> -> memref<25000xi32, #tpu.memory_space<hbm>>
      %dma_start3A_44 = tpu.memref_slice %arg2[%add3A_42] : memref<1600000xi32, #tpu.memory_space<hbm>> -> memref<25000xi32, #tpu.memory_space<hbm>>
      tpu.enqueue_dma source(%dma_start3A_44 : memref<25000xi32, #tpu.memory_space<hbm>>) target(%arg11 : memref<25000xi32, #tpu.memory_space<vmem>>) target_semaphore(%arg19 : memref<!tpu.dma_semaphore, #tpu.memory_space<semaphore_mem>>)
      %dma_start3A_45 = tpu.memref_slice %arg3[%add3A_42] : memref<1600000xi32, #tpu.memory_space<hbm>> -> memref<25000xi32, #tpu.memory_space<hbm>>
      %dma_start3A_46 = tpu.memref_slice %arg3[%add3A_42] : memref<1600000xi32, #tpu.memory_space<hbm>> -> memref<25000xi32, #tpu.memory_space<hbm>>
      tpu.enqueue_dma source(%dma_start3A_46 : memref<25000xi32, #tpu.memory_space<hbm>>) target(%arg12 : memref<25000xi32, #tpu.memory_space<vmem>>) target_semaphore(%arg19 : memref<!tpu.dma_semaphore, #tpu.memory_space<semaphore_mem>>)
      %dma_wait3A_47 = tpu.memref_slice %arg2[%add3A_42] : memref<1600000xi32, #tpu.memory_space<hbm>> -> memref<25000xi32, #tpu.memory_space<hbm>>
      %dma_wait3A_48 = tpu.memref_slice %arg2[%add3A_42] : memref<1600000xi32, #tpu.memory_space<hbm>> -> memref<25000xi32, #tpu.memory_space<hbm>>
      tpu.wait_dma2 semaphore(%arg19 : memref<!tpu.dma_semaphore, #tpu.memory_space<semaphore_mem>>) src(%dma_wait3A_48 : memref<25000xi32, #tpu.memory_space<hbm>>) dst(%arg11 : memref<25000xi32, #tpu.memory_space<vmem>>)
      %dma_wait3A_49 = tpu.memref_slice %arg3[%add3A_42] : memref<1600000xi32, #tpu.memory_space<hbm>> -> memref<25000xi32, #tpu.memory_space<hbm>>
      %dma_wait3A_50 = tpu.memref_slice %arg3[%add3A_42] : memref<1600000xi32, #tpu.memory_space<hbm>> -> memref<25000xi32, #tpu.memory_space<hbm>>
      tpu.wait_dma2 semaphore(%arg19 : memref<!tpu.dma_semaphore, #tpu.memory_space<semaphore_mem>>) src(%dma_wait3A_50 : memref<25000xi32, #tpu.memory_space<hbm>>) dst(%arg12 : memref<25000xi32, #tpu.memory_space<vmem>>)
      %dma_start3A_51 = arith.constant 0 : i32
      %dma_start3A_52 = tpu.memref_slice %arg15[%dma_start3A_51] : memref<100352xf32, #tpu.memory_space<vmem_shared>> -> memref<100352xf32, #tpu.memory_space<vmem_shared>>
      tpu.enqueue_indirect_dma source(%dma_start3A_52 : memref<100352xf32, #tpu.memory_space<vmem_shared>>) target(%arg13 : memref<25000xf32, #tpu.memory_space<vmem>>) offsets(%arg11 : memref<25000xi32, #tpu.memory_space<vmem>>) semaphore(%arg20 : memref<!tpu.dma_semaphore, #tpu.memory_space<semaphore_mem>>)
      %dma_start3A_53 = arith.constant 0 : i32
      %dma_start3A_54 = tpu.memref_slice %arg16[%dma_start3A_53] : memref<100352xf32, #tpu.memory_space<vmem_shared>> -> memref<100352xf32, #tpu.memory_space<vmem_shared>>
      tpu.enqueue_indirect_dma source(%dma_start3A_54 : memref<100352xf32, #tpu.memory_space<vmem_shared>>) target(%arg14 : memref<25000xf32, #tpu.memory_space<vmem>>) offsets(%arg11 : memref<25000xi32, #tpu.memory_space<vmem>>) semaphore(%arg20 : memref<!tpu.dma_semaphore, #tpu.memory_space<semaphore_mem>>)
      %dma_wait3A_55 = arith.constant 0 : i32
      %dma_wait3A_56 = tpu.memref_slice %arg15[%dma_wait3A_55] : memref<100352xf32, #tpu.memory_space<vmem_shared>> -> memref<100352xf32, #tpu.memory_space<vmem_shared>>
      tpu.wait_indirect_dma semaphore(%arg20 : memref<!tpu.dma_semaphore, #tpu.memory_space<semaphore_mem>>) src(%dma_wait3A_56 : memref<100352xf32, #tpu.memory_space<vmem_shared>>) dst(%arg13 : memref<25000xf32, #tpu.memory_space<vmem>>)
      %dma_wait3A_57 = arith.constant 0 : i32
      %dma_wait3A_58 = tpu.memref_slice %arg16[%dma_wait3A_57] : memref<100352xf32, #tpu.memory_space<vmem_shared>> -> memref<100352xf32, #tpu.memory_space<vmem_shared>>
      tpu.wait_indirect_dma semaphore(%arg20 : memref<!tpu.dma_semaphore, #tpu.memory_space<semaphore_mem>>) src(%dma_wait3A_58 : memref<100352xf32, #tpu.memory_space<vmem_shared>>) dst(%arg14 : memref<25000xf32, #tpu.memory_space<vmem>>)
      %dma_start3A_59 = arith.constant 0 : i32
      %dma_start3A_60 = tpu.memref_slice %arg17[%dma_start3A_59] : memref<100352xf32, #tpu.memory_space<vmem_shared>> -> memref<100352xf32, #tpu.memory_space<vmem_shared>>
      tpu.enqueue_indirect_dma source(%arg13 : memref<25000xf32, #tpu.memory_space<vmem>>) target(%dma_start3A_60 : memref<100352xf32, #tpu.memory_space<vmem_shared>>) offsets(%arg12 : memref<25000xi32, #tpu.memory_space<vmem>>) semaphore(%arg21 : memref<!tpu.dma_semaphore, #tpu.memory_space<semaphore_mem>>) {add = true}
      %dma_start3A_61 = arith.constant 0 : i32
      %dma_start3A_62 = tpu.memref_slice %arg18[%dma_start3A_61] : memref<100352xf32, #tpu.memory_space<vmem_shared>> -> memref<100352xf32, #tpu.memory_space<vmem_shared>>
      tpu.enqueue_indirect_dma source(%arg14 : memref<25000xf32, #tpu.memory_space<vmem>>) target(%dma_start3A_62 : memref<100352xf32, #tpu.memory_space<vmem_shared>>) offsets(%arg12 : memref<25000xi32, #tpu.memory_space<vmem>>) semaphore(%arg21 : memref<!tpu.dma_semaphore, #tpu.memory_space<semaphore_mem>>) {add = true}
      %dma_wait3A_63 = arith.constant 0 : i32
      %dma_wait3A_64 = tpu.memref_slice %arg17[%dma_wait3A_63] : memref<100352xf32, #tpu.memory_space<vmem_shared>> -> memref<100352xf32, #tpu.memory_space<vmem_shared>>
      tpu.wait_indirect_dma semaphore(%arg21 : memref<!tpu.dma_semaphore, #tpu.memory_space<semaphore_mem>>) src(%arg13 : memref<25000xf32, #tpu.memory_space<vmem>>) dst(%dma_wait3A_64 : memref<100352xf32, #tpu.memory_space<vmem_shared>>)
      %dma_wait3A_65 = arith.constant 0 : i32
      %dma_wait3A_66 = tpu.memref_slice %arg18[%dma_wait3A_65] : memref<100352xf32, #tpu.memory_space<vmem_shared>> -> memref<100352xf32, #tpu.memory_space<vmem_shared>>
      tpu.wait_indirect_dma semaphore(%arg21 : memref<!tpu.dma_semaphore, #tpu.memory_space<semaphore_mem>>) src(%arg14 : memref<25000xf32, #tpu.memory_space<vmem>>) dst(%dma_wait3A_66 : memref<100352xf32, #tpu.memory_space<vmem_shared>>)
    }
    %scan3A_27 = arith.constant 2 : i32
    %barrier3A_28 = arith.constant 0 : index
    tpu.barrier barrier_id(%barrier3A_28)
    %eq3A_29 = arith.constant 0 : i32
    %eq3A_30 = arith.cmpi eq, %arg0, %eq3A_29 : i32
    %convert_element_type3A_31 = arith.extui %eq3A_30 : i1 to i32
    %cond3A_32 = arith.constant 0 : i32
    %cond3A_33 = arith.cmpi ne, %convert_element_type3A_31, %cond3A_32 : i32
    scf.if %cond3A_33 {
      %mul3A_39 = arith.constant 6272 : i32
      %mul3A_40 = arith.muli %arg1, %mul3A_39 : i32
      %mul3A_41 = arith.constant 6272 : i32
      %mul3A_42 = arith.muli %arg1, %mul3A_41 : i32
      %dma_start3A_43 = tpu.memref_slice %arg7[%mul3A_42] : memref<100352xf32, #tpu.memory_space<hbm>> -> memref<6272xf32, #tpu.memory_space<hbm>>
      %dma_start3A_44 = tpu.memref_slice %arg17[%mul3A_40] : memref<100352xf32, #tpu.memory_space<vmem_shared>> -> memref<6272xf32, #tpu.memory_space<vmem_shared>>
      tpu.enqueue_dma source(%dma_start3A_44 : memref<6272xf32, #tpu.memory_space<vmem_shared>>) target(%dma_start3A_43 : memref<6272xf32, #tpu.memory_space<hbm>>) target_semaphore(%arg20 : memref<!tpu.dma_semaphore, #tpu.memory_space<semaphore_mem>>)
      %dma_wait3A_45 = tpu.memref_slice %arg7[%mul3A_42] : memref<100352xf32, #tpu.memory_space<hbm>> -> memref<6272xf32, #tpu.memory_space<hbm>>
      %dma_wait3A_46 = tpu.memref_slice %arg17[%mul3A_40] : memref<100352xf32, #tpu.memory_space<vmem_shared>> -> memref<6272xf32, #tpu.memory_space<vmem_shared>>
      tpu.wait_dma2 semaphore(%arg20 : memref<!tpu.dma_semaphore, #tpu.memory_space<semaphore_mem>>) src(%dma_wait3A_46 : memref<6272xf32, #tpu.memory_space<vmem_shared>>) dst(%dma_wait3A_45 : memref<6272xf32, #tpu.memory_space<hbm>>)
      %mul3A_47 = arith.constant 6272 : i32
      %mul3A_48 = arith.muli %arg1, %mul3A_47 : i32
      %mul3A_49 = arith.constant 6272 : i32
      %mul3A_50 = arith.muli %arg1, %mul3A_49 : i32
      %dma_start3A_51 = tpu.memref_slice %arg8[%mul3A_50] : memref<100352xf32, #tpu.memory_space<hbm>> -> memref<6272xf32, #tpu.memory_space<hbm>>
      %dma_start3A_52 = tpu.memref_slice %arg18[%mul3A_48] : memref<100352xf32, #tpu.memory_space<vmem_shared>> -> memref<6272xf32, #tpu.memory_space<vmem_shared>>
      tpu.enqueue_dma source(%dma_start3A_52 : memref<6272xf32, #tpu.memory_space<vmem_shared>>) target(%dma_start3A_51 : memref<6272xf32, #tpu.memory_space<hbm>>) target_semaphore(%arg20 : memref<!tpu.dma_semaphore, #tpu.memory_space<semaphore_mem>>)
      %dma_wait3A_53 = tpu.memref_slice %arg8[%mul3A_50] : memref<100352xf32, #tpu.memory_space<hbm>> -> memref<6272xf32, #tpu.memory_space<hbm>>
      %dma_wait3A_54 = tpu.memref_slice %arg18[%mul3A_48] : memref<100352xf32, #tpu.memory_space<vmem_shared>> -> memref<6272xf32, #tpu.memory_space<vmem_shared>>
      tpu.wait_dma2 semaphore(%arg20 : memref<!tpu.dma_semaphore, #tpu.memory_space<semaphore_mem>>) src(%dma_wait3A_54 : memref<6272xf32, #tpu.memory_space<vmem_shared>>) dst(%dma_wait3A_53 : memref<6272xf32, #tpu.memory_space<hbm>>)
    } else {
    }
    %ne3A_34 = arith.constant 0 : i32
    %ne3A_35 = arith.cmpi ne, %arg0, %ne3A_34 : i32
    %convert_element_type3A_36 = arith.extui %ne3A_35 : i1 to i32
    %cond3A_37 = arith.constant 0 : i32
    %cond3A_38 = arith.cmpi ne, %convert_element_type3A_36, %cond3A_37 : i32
    scf.if %cond3A_38 {
      %mul3A_39 = arith.constant 6272 : i32
      %mul3A_40 = arith.muli %arg1, %mul3A_39 : i32
      %mul3A_41 = arith.constant 6272 : i32
      %mul3A_42 = arith.muli %arg1, %mul3A_41 : i32
      %dma_start3A_43 = tpu.memref_slice %arg9[%mul3A_42] : memref<100352xf32, #tpu.memory_space<hbm>> -> memref<6272xf32, #tpu.memory_space<hbm>>
      %dma_start3A_44 = tpu.memref_slice %arg17[%mul3A_40] : memref<100352xf32, #tpu.memory_space<vmem_shared>> -> memref<6272xf32, #tpu.memory_space<vmem_shared>>
      tpu.enqueue_dma source(%dma_start3A_44 : memref<6272xf32, #tpu.memory_space<vmem_shared>>) target(%dma_start3A_43 : memref<6272xf32, #tpu.memory_space<hbm>>) target_semaphore(%arg20 : memref<!tpu.dma_semaphore, #tpu.memory_space<semaphore_mem>>)
      %dma_wait3A_45 = tpu.memref_slice %arg9[%mul3A_42] : memref<100352xf32, #tpu.memory_space<hbm>> -> memref<6272xf32, #tpu.memory_space<hbm>>
      %dma_wait3A_46 = tpu.memref_slice %arg17[%mul3A_40] : memref<100352xf32, #tpu.memory_space<vmem_shared>> -> memref<6272xf32, #tpu.memory_space<vmem_shared>>
      tpu.wait_dma2 semaphore(%arg20 : memref<!tpu.dma_semaphore, #tpu.memory_space<semaphore_mem>>) src(%dma_wait3A_46 : memref<6272xf32, #tpu.memory_space<vmem_shared>>) dst(%dma_wait3A_45 : memref<6272xf32, #tpu.memory_space<hbm>>)
      %mul3A_47 = arith.constant 6272 : i32
      %mul3A_48 = arith.muli %arg1, %mul3A_47 : i32
      %mul3A_49 = arith.constant 6272 : i32
      %mul3A_50 = arith.muli %arg1, %mul3A_49 : i32
      %dma_start3A_51 = tpu.memref_slice %arg10[%mul3A_50] : memref<100352xf32, #tpu.memory_space<hbm>> -> memref<6272xf32, #tpu.memory_space<hbm>>
      %dma_start3A_52 = tpu.memref_slice %arg18[%mul3A_48] : memref<100352xf32, #tpu.memory_space<vmem_shared>> -> memref<6272xf32, #tpu.memory_space<vmem_shared>>
      tpu.enqueue_dma source(%dma_start3A_52 : memref<6272xf32, #tpu.memory_space<vmem_shared>>) target(%dma_start3A_51 : memref<6272xf32, #tpu.memory_space<hbm>>) target_semaphore(%arg20 : memref<!tpu.dma_semaphore, #tpu.memory_space<semaphore_mem>>)
      %dma_wait3A_53 = tpu.memref_slice %arg10[%mul3A_50] : memref<100352xf32, #tpu.memory_space<hbm>> -> memref<6272xf32, #tpu.memory_space<hbm>>
      %dma_wait3A_54 = tpu.memref_slice %arg18[%mul3A_48] : memref<100352xf32, #tpu.memory_space<vmem_shared>> -> memref<6272xf32, #tpu.memory_space<vmem_shared>>
      tpu.wait_dma2 semaphore(%arg20 : memref<!tpu.dma_semaphore, #tpu.memory_space<semaphore_mem>>) src(%dma_wait3A_54 : memref<6272xf32, #tpu.memory_space<vmem_shared>>) dst(%dma_wait3A_53 : memref<6272xf32, #tpu.memory_space<hbm>>)
    } else {
    }
    return
  }
}

#map = affine_map<(d0, d1) -> (0)>
module attributes {stable_mosaic.version = 14 : i64} {
  func.func @_deg_call(%arg0: i32, %arg1: i32, %arg2: memref<1600000xi32, #tpu.memory_space<hbm>>, %arg3: memref<100352xf32, #tpu.memory_space<hbm>>, %arg4: memref<100352xf32, #tpu.memory_space<hbm>>, %arg5: memref<100352xf32, #tpu.memory_space<hbm>>, %arg6: memref<50000xi32, #tpu.memory_space<vmem>>, %arg7: memref<50000xf32, #tpu.memory_space<vmem>>, %arg8: memref<100352xf32, #tpu.memory_space<vmem_shared>>) attributes {dimension_semantics = [#tpu.dimension_semantics<core_parallel>, #tpu.dimension_semantics<subcore_parallel>], iteration_bounds = array<i64: 2, 16>, scalar_prefetch = 0 : i64, scratch_operands = 3 : i64, tpu.core_type = #tpu.core_type<sc_vector_subcore>, window_params = [{transform_indices = #map}, {transform_indices = #map}, {transform_indices = #map}, {transform_indices = #map}]} {
    %mul3A = arith.constant 16 : i32
    %mul3A_0 = arith.muli %arg0, %mul3A : i32
    %add3A = arith.addi %mul3A_0, %arg1 : i32
    %scan3A = arith.constant 0 : i32
    %scan3A_1 = arith.constant 0 : i32
    %scan3A_2 = arith.constant 3125 : i32
    %scan3A_3 = arith.addi %scan3A_1, %scan3A_2 : i32
    %scan3A_4 = arith.constant 1 : i32
    scf.for %scan3A_25 = %scan3A_1 to %scan3A_3 step %scan3A_4  : i32 {
      %broadcast_in_dim3A = arith.constant 1.000000e+00 : f32
      %broadcast_in_dim3A_26 = vector.broadcast %broadcast_in_dim3A : f32 to vector<16xf32>
      %mul3A_27 = arith.constant 16 : i32
      %mul3A_28 = arith.muli %scan3A_25, %mul3A_27 : i32
      %swap3A = arith.index_cast %mul3A_28 : i32 to index
      %swap3A_29 = tpu.vector_load %arg7[%swap3A] {strides = array<i32>} : memref<50000xf32, #tpu.memory_space<vmem>>, vector<16xf32>,
      %swap3A_30 = vector.shape_cast %swap3A_29 : vector<16xf32> to vector<16xf32>
      %swap3A_31 = vector.shape_cast %broadcast_in_dim3A_26 : vector<16xf32> to vector<16xf32>
      tpu.vector_store %arg7[%swap3A], %swap3A_31 {strides = array<i32>} : memref<50000xf32, #tpu.memory_space<vmem>>, vector<16xf32>,
    }
    %scan3A_5 = arith.constant 3125 : i32
    %mul3A_6 = arith.constant 6272 : i32
    %mul3A_7 = arith.muli %arg1, %mul3A_6 : i32
    %mul3A_8 = arith.constant 6272 : i32
    %mul3A_9 = arith.muli %arg1, %mul3A_8 : i32
    "tpu.region"() ({
      %run_scoped3A = tpu.sem_alloc : memref<!tpu.dma_semaphore, #tpu.memory_space<semaphore_mem>>
      %dma_start3A = tpu.memref_slice %arg8[%mul3A_9] : memref<100352xf32, #tpu.memory_space<vmem_shared>> -> memref<6272xf32, #tpu.memory_space<vmem_shared>>
      %dma_start3A_25 = tpu.memref_slice %arg3[%mul3A_7] : memref<100352xf32, #tpu.memory_space<hbm>> -> memref<6272xf32, #tpu.memory_space<hbm>>
      tpu.enqueue_dma source(%dma_start3A_25 : memref<6272xf32, #tpu.memory_space<hbm>>) target(%dma_start3A : memref<6272xf32, #tpu.memory_space<vmem_shared>>) target_semaphore(%run_scoped3A : memref<!tpu.dma_semaphore, #tpu.memory_space<semaphore_mem>>)
      %dma_wait3A = tpu.memref_slice %arg8[%mul3A_9] : memref<100352xf32, #tpu.memory_space<vmem_shared>> -> memref<6272xf32, #tpu.memory_space<vmem_shared>>
      %dma_wait3A_26 = tpu.memref_slice %arg3[%mul3A_7] : memref<100352xf32, #tpu.memory_space<hbm>> -> memref<6272xf32, #tpu.memory_space<hbm>>
      tpu.wait_dma2 semaphore(%run_scoped3A : memref<!tpu.dma_semaphore, #tpu.memory_space<semaphore_mem>>) src(%dma_wait3A_26 : memref<6272xf32, #tpu.memory_space<hbm>>) dst(%dma_wait3A : memref<6272xf32, #tpu.memory_space<vmem_shared>>)
      tpu.yield
    }) : () -> ()
    %barrier3A = arith.constant 0 : index
    tpu.barrier barrier_id(%barrier3A)
    %mul3A_10 = arith.constant 50000 : i32
    %mul3A_11 = arith.muli %add3A, %mul3A_10 : i32
    %scan3A_12 = arith.constant 0 : i32
    %scan3A_13 = arith.constant 0 : i32
    %mul3A_14 = arith.constant 50000 : i32
    %mul3A_15 = arith.muli %scan3A_13, %mul3A_14 : i32
    %add3A_16 = arith.addi %mul3A_11, %mul3A_15 : i32
    "tpu.region"() ({
      %run_scoped3A = tpu.sem_alloc : memref<!tpu.dma_semaphore, #tpu.memory_space<semaphore_mem>>
      %dma_start3A = tpu.memref_slice %arg2[%add3A_16] : memref<1600000xi32, #tpu.memory_space<hbm>> -> memref<50000xi32, #tpu.memory_space<hbm>>
      %dma_start3A_25 = tpu.memref_slice %arg2[%add3A_16] : memref<1600000xi32, #tpu.memory_space<hbm>> -> memref<50000xi32, #tpu.memory_space<hbm>>
      tpu.enqueue_dma source(%dma_start3A_25 : memref<50000xi32, #tpu.memory_space<hbm>>) target(%arg6 : memref<50000xi32, #tpu.memory_space<vmem>>) target_semaphore(%run_scoped3A : memref<!tpu.dma_semaphore, #tpu.memory_space<semaphore_mem>>)
      %dma_wait3A = tpu.memref_slice %arg2[%add3A_16] : memref<1600000xi32, #tpu.memory_space<hbm>> -> memref<50000xi32, #tpu.memory_space<hbm>>
      %dma_wait3A_26 = tpu.memref_slice %arg2[%add3A_16] : memref<1600000xi32, #tpu.memory_space<hbm>> -> memref<50000xi32, #tpu.memory_space<hbm>>
      tpu.wait_dma2 semaphore(%run_scoped3A : memref<!tpu.dma_semaphore, #tpu.memory_space<semaphore_mem>>) src(%dma_wait3A_26 : memref<50000xi32, #tpu.memory_space<hbm>>) dst(%arg6 : memref<50000xi32, #tpu.memory_space<vmem>>)
      tpu.yield
    }) : () -> ()
    "tpu.region"() ({
      %run_scoped3A = tpu.sem_alloc : memref<!tpu.dma_semaphore, #tpu.memory_space<semaphore_mem>>
      %dma_start3A = arith.constant 0 : i32
      %dma_start3A_25 = tpu.memref_slice %arg8[%dma_start3A] : memref<100352xf32, #tpu.memory_space<vmem_shared>> -> memref<100352xf32, #tpu.memory_space<vmem_shared>>
      tpu.enqueue_indirect_dma source(%arg7 : memref<50000xf32, #tpu.memory_space<vmem>>) target(%dma_start3A_25 : memref<100352xf32, #tpu.memory_space<vmem_shared>>) offsets(%arg6 : memref<50000xi32, #tpu.memory_space<vmem>>) semaphore(%run_scoped3A : memref<!tpu.dma_semaphore, #tpu.memory_space<semaphore_mem>>) {add = true}
      %dma_wait3A = arith.constant 0 : i32
      %dma_wait3A_26 = tpu.memref_slice %arg8[%dma_wait3A] : memref<100352xf32, #tpu.memory_space<vmem_shared>> -> memref<100352xf32, #tpu.memory_space<vmem_shared>>
      tpu.wait_indirect_dma semaphore(%run_scoped3A : memref<!tpu.dma_semaphore, #tpu.memory_space<semaphore_mem>>) src(%arg7 : memref<50000xf32, #tpu.memory_space<vmem>>) dst(%dma_wait3A_26 : memref<100352xf32, #tpu.memory_space<vmem_shared>>)
      tpu.yield
    }) : () -> ()
    %scan3A_17 = arith.constant 1 : i32
    %barrier3A_18 = arith.constant 0 : index
    tpu.barrier barrier_id(%barrier3A_18)
    %eq3A = arith.constant 0 : i32
    %eq3A_19 = arith.cmpi eq, %arg0, %eq3A : i32
    %convert_element_type3A = arith.extui %eq3A_19 : i1 to i32
    %cond3A = arith.constant 0 : i32
    %cond3A_20 = arith.cmpi ne, %convert_element_type3A, %cond3A : i32
    scf.if %cond3A_20 {
      %mul3A_25 = arith.constant 6272 : i32
      %mul3A_26 = arith.muli %arg1, %mul3A_25 : i32
      %mul3A_27 = arith.constant 6272 : i32
      %mul3A_28 = arith.muli %arg1, %mul3A_27 : i32
      "tpu.region"() ({
        %run_scoped3A = tpu.sem_alloc : memref<!tpu.dma_semaphore, #tpu.memory_space<semaphore_mem>>
        %dma_start3A = tpu.memref_slice %arg4[%mul3A_28] : memref<100352xf32, #tpu.memory_space<hbm>> -> memref<6272xf32, #tpu.memory_space<hbm>>
        %dma_start3A_29 = tpu.memref_slice %arg8[%mul3A_26] : memref<100352xf32, #tpu.memory_space<vmem_shared>> -> memref<6272xf32, #tpu.memory_space<vmem_shared>>
        tpu.enqueue_dma source(%dma_start3A_29 : memref<6272xf32, #tpu.memory_space<vmem_shared>>) target(%dma_start3A : memref<6272xf32, #tpu.memory_space<hbm>>) target_semaphore(%run_scoped3A : memref<!tpu.dma_semaphore, #tpu.memory_space<semaphore_mem>>)
        %dma_wait3A = tpu.memref_slice %arg4[%mul3A_28] : memref<100352xf32, #tpu.memory_space<hbm>> -> memref<6272xf32, #tpu.memory_space<hbm>>
        %dma_wait3A_30 = tpu.memref_slice %arg8[%mul3A_26] : memref<100352xf32, #tpu.memory_space<vmem_shared>> -> memref<6272xf32, #tpu.memory_space<vmem_shared>>
        tpu.wait_dma2 semaphore(%run_scoped3A : memref<!tpu.dma_semaphore, #tpu.memory_space<semaphore_mem>>) src(%dma_wait3A_30 : memref<6272xf32, #tpu.memory_space<vmem_shared>>) dst(%dma_wait3A : memref<6272xf32, #tpu.memory_space<hbm>>)
        tpu.yield
      }) : () -> ()
    } else {
    }
    %ne3A = arith.constant 0 : i32
    %ne3A_21 = arith.cmpi ne, %arg0, %ne3A : i32
    %convert_element_type3A_22 = arith.extui %ne3A_21 : i1 to i32
    %cond3A_23 = arith.constant 0 : i32
    %cond3A_24 = arith.cmpi ne, %convert_element_type3A_22, %cond3A_23 : i32
    scf.if %cond3A_24 {
      %mul3A_25 = arith.constant 6272 : i32
      %mul3A_26 = arith.muli %arg1, %mul3A_25 : i32
      %mul3A_27 = arith.constant 6272 : i32
      %mul3A_28 = arith.muli %arg1, %mul3A_27 : i32
      "tpu.region"() ({
        %run_scoped3A = tpu.sem_alloc : memref<!tpu.dma_semaphore, #tpu.memory_space<semaphore_mem>>
        %dma_start3A = tpu.memref_slice %arg5[%mul3A_28] : memref<100352xf32, #tpu.memory_space<hbm>> -> memref<6272xf32, #tpu.memory_space<hbm>>
        %dma_start3A_29 = tpu.memref_slice %arg8[%mul3A_26] : memref<100352xf32, #tpu.memory_space<vmem_shared>> -> memref<6272xf32, #tpu.memory_space<vmem_shared>>
        tpu.enqueue_dma source(%dma_start3A_29 : memref<6272xf32, #tpu.memory_space<vmem_shared>>) target(%dma_start3A : memref<6272xf32, #tpu.memory_space<hbm>>) target_semaphore(%run_scoped3A : memref<!tpu.dma_semaphore, #tpu.memory_space<semaphore_mem>>)
        %dma_wait3A = tpu.memref_slice %arg5[%mul3A_28] : memref<100352xf32, #tpu.memory_space<hbm>> -> memref<6272xf32, #tpu.memory_space<hbm>>
        %dma_wait3A_30 = tpu.memref_slice %arg8[%mul3A_26] : memref<100352xf32, #tpu.memory_space<vmem_shared>> -> memref<6272xf32, #tpu.memory_space<vmem_shared>>
        tpu.wait_dma2 semaphore(%run_scoped3A : memref<!tpu.dma_semaphore, #tpu.memory_space<semaphore_mem>>) src(%dma_wait3A_30 : memref<6272xf32, #tpu.memory_space<vmem_shared>>) dst(%dma_wait3A : memref<6272xf32, #tpu.memory_space<hbm>>)
        tpu.yield
      }) : () -> ()
    } else {
    }
    return
  }
}

module attributes {stable_mosaic.version = 14 : i64} {
  func.func @_mm1t_body(%arg0: i32, %arg1: memref<4x34xf32, #tpu.memory_space<vmem>>, %arg2: memref<34x6272xf32, #tpu.memory_space<vmem>>, %arg3: memref<4x6272xf32, #tpu.memory_space<vmem>>) attributes {dimension_semantics = [#tpu.dimension_semantics<arbitrary>], iteration_bounds = array<i64: 16>, scalar_prefetch = 0 : i64, scratch_operands = 0 : i64, tpu.core_type = #tpu.core_type<tc>, window_params = [{pipeline_mode = #tpu.pipeline_mode<synchronous>, transform_indices = @transform_0, window_bounds = array<i64: 4, 34>}, {transform_indices = @transform_1, window_bounds = array<i64: 34, 6272>}, {transform_indices = @transform_2, window_bounds = array<i64: 4, 6272>}]} {
    %get3A = arith.constant 0 : index
    %get3A_0 = arith.constant 0 : index
    %get3A_1 = vector.load %arg1[%get3A, %get3A_0] : memref<4x34xf32, #tpu.memory_space<vmem>>, vector<4x34xf32>
    %get3A_2 = arith.constant 0 : index
    %get3A_3 = arith.constant 0 : index
    %get3A_4 = vector.load %arg2[%get3A_2, %get3A_3] : memref<34x6272xf32, #tpu.memory_space<vmem>>, vector<34x6272xf32>
    %dot_general3A = arith.constant dense<0.000000e+00> : vector<4x6272xf32>
    %dot_general3A_5 = tpu.matmul %get3A_1, %get3A_4, %dot_general3A {dimension_numbers = #tpu.dot_dimension_numbers<[1], [0], [0], [1], [0, 0, 1, 1], [], []>, transpose_lhs_hint = false} : vector<4x34xf32>, vector<34x6272xf32>, vector<4x6272xf32> -> vector<4x6272xf32>
    %swap3A = arith.constant 0 : index
    %swap3A_6 = arith.constant 0 : index
    %swap3A_7 = vector.load %arg3[%swap3A, %swap3A_6] : memref<4x6272xf32, #tpu.memory_space<vmem>>, vector<4x6272xf32>
    tpu.vector_store %arg3[%swap3A, %swap3A_6], %dot_general3A_5 {strides = array<i32>} : memref<4x6272xf32, #tpu.memory_space<vmem>>, vector<4x6272xf32>,
    return
  }
  func.func @transform_0(%arg0: i32) -> (i32, i32) {
    %c0_i32 = arith.constant 0 : i32
    %c0_i32_0 = arith.constant 0 : i32
    %c0_i32_1 = arith.constant 0 : i32
    return %c0_i32, %c0_i32_0 : i32, i32
  }
  func.func @transform_1(%arg0: i32) -> (i32, i32) {
    %c0_i32 = arith.constant 0 : i32
    %c0_i32_0 = arith.constant 0 : i32
    return %c0_i32, %arg0 : i32, i32
  }
  func.func @transform_2(%arg0: i32) -> (i32, i32) {
    %c0_i32 = arith.constant 0 : i32
    %c0_i32_0 = arith.constant 0 : i32
    return %c0_i32, %arg0 : i32, i32
  }
}

module attributes {stable_mosaic.version = 14 : i64} {
  func.func @_disg1_body(%arg0: memref<784x128xf32, #tpu.memory_space<vmem>>, %arg1: memref<784x128xf32, #tpu.memory_space<vmem>>, %arg2: memref<784x128xf32, #tpu.memory_space<vmem>>, %arg3: memref<784x128xf32, #tpu.memory_space<vmem>>, %arg4: memref<784x128xf32, #tpu.memory_space<vmem>>, %arg5: memref<784x128xf32, #tpu.memory_space<vmem>>, %arg6: memref<784x128xf32, #tpu.memory_space<vmem>>, %arg7: memref<784x128xf32, #tpu.memory_space<vmem>>, %arg8: memref<784x128xf32, #tpu.memory_space<vmem>>, %arg9: memref<784x128xf32, #tpu.memory_space<vmem>>, %arg10: memref<784x128xf32, #tpu.memory_space<vmem>>) attributes {dimension_semantics = [], scalar_prefetch = 0 : i64, scratch_operands = 0 : i64, tpu.core_type = #tpu.core_type<tc>} {
    %get3A = arith.constant 0 : index
    %get3A_0 = arith.constant 0 : index
    %get3A_1 = vector.load %arg0[%get3A, %get3A_0] : memref<784x128xf32, #tpu.memory_space<vmem>>, vector<784x128xf32>
    %get3A_2 = arith.constant 0 : index
    %get3A_3 = arith.constant 0 : index
    %get3A_4 = vector.load %arg1[%get3A_2, %get3A_3] : memref<784x128xf32, #tpu.memory_space<vmem>>, vector<784x128xf32>
    %add3A = arith.addf %get3A_1, %get3A_4 : vector<784x128xf32>
    %add3A_5 = arith.constant 1.000000e+00 : f32
    %add3A_6 = vector.broadcast %add3A_5 : f32 to vector<784x128xf32>
    %add3A_7 = arith.addf %add3A, %add3A_6 : vector<784x128xf32>
    %rsqrt3A = math.rsqrt %add3A_7 : vector<784x128xf32>
    %swap3A = arith.constant 0 : index
    %swap3A_8 = arith.constant 0 : index
    %swap3A_9 = vector.load %arg6[%swap3A, %swap3A_8] : memref<784x128xf32, #tpu.memory_space<vmem>>, vector<784x128xf32>
    tpu.vector_store %arg6[%swap3A, %swap3A_8], %rsqrt3A {strides = array<i32>} : memref<784x128xf32, #tpu.memory_space<vmem>>, vector<784x128xf32>,
    %get3A_10 = arith.constant 0 : index
    %get3A_11 = arith.constant 0 : index
    %get3A_12 = vector.load %arg2[%get3A_10, %get3A_11] : memref<784x128xf32, #tpu.memory_space<vmem>>, vector<784x128xf32>
    %mul3A = arith.mulf %get3A_12, %rsqrt3A : vector<784x128xf32>
    %swap3A_13 = arith.constant 0 : index
    %swap3A_14 = arith.constant 0 : index
    %swap3A_15 = vector.load %arg7[%swap3A_13, %swap3A_14] : memref<784x128xf32, #tpu.memory_space<vmem>>, vector<784x128xf32>
    tpu.vector_store %arg7[%swap3A_13, %swap3A_14], %mul3A {strides = array<i32>} : memref<784x128xf32, #tpu.memory_space<vmem>>, vector<784x128xf32>,
    %get3A_16 = arith.constant 0 : index
    %get3A_17 = arith.constant 0 : index
    %get3A_18 = vector.load %arg3[%get3A_16, %get3A_17] : memref<784x128xf32, #tpu.memory_space<vmem>>, vector<784x128xf32>
    %mul3A_19 = arith.mulf %get3A_18, %rsqrt3A : vector<784x128xf32>
    %swap3A_20 = arith.constant 0 : index
    %swap3A_21 = arith.constant 0 : index
    %swap3A_22 = vector.load %arg8[%swap3A_20, %swap3A_21] : memref<784x128xf32, #tpu.memory_space<vmem>>, vector<784x128xf32>
    tpu.vector_store %arg8[%swap3A_20, %swap3A_21], %mul3A_19 {strides = array<i32>} : memref<784x128xf32, #tpu.memory_space<vmem>>, vector<784x128xf32>,
    %get3A_23 = arith.constant 0 : index
    %get3A_24 = arith.constant 0 : index
    %get3A_25 = vector.load %arg4[%get3A_23, %get3A_24] : memref<784x128xf32, #tpu.memory_space<vmem>>, vector<784x128xf32>
    %mul3A_26 = arith.mulf %get3A_25, %rsqrt3A : vector<784x128xf32>
    %swap3A_27 = arith.constant 0 : index
    %swap3A_28 = arith.constant 0 : index
    %swap3A_29 = vector.load %arg9[%swap3A_27, %swap3A_28] : memref<784x128xf32, #tpu.memory_space<vmem>>, vector<784x128xf32>
    tpu.vector_store %arg9[%swap3A_27, %swap3A_28], %mul3A_26 {strides = array<i32>} : memref<784x128xf32, #tpu.memory_space<vmem>>, vector<784x128xf32>,
    %get3A_30 = arith.constant 0 : index
    %get3A_31 = arith.constant 0 : index
    %get3A_32 = vector.load %arg5[%get3A_30, %get3A_31] : memref<784x128xf32, #tpu.memory_space<vmem>>, vector<784x128xf32>
    %mul3A_33 = arith.mulf %get3A_32, %rsqrt3A : vector<784x128xf32>
    %swap3A_34 = arith.constant 0 : index
    %swap3A_35 = arith.constant 0 : index
    %swap3A_36 = vector.load %arg10[%swap3A_34, %swap3A_35] : memref<784x128xf32, #tpu.memory_space<vmem>>, vector<784x128xf32>
    tpu.vector_store %arg10[%swap3A_34, %swap3A_35], %mul3A_33 {strides = array<i32>} : memref<784x128xf32, #tpu.memory_space<vmem>>, vector<784x128xf32>,
    return
  }
}

module attributes {stable_mosaic.version = 14 : i64} {
  func.func @_mid_body(%arg0: memref<784x128xf32, #tpu.memory_space<vmem>>, %arg1: memref<784x128xf32, #tpu.memory_space<vmem>>, %arg2: memref<784x128xf32, #tpu.memory_space<vmem>>, %arg3: memref<784x128xf32, #tpu.memory_space<vmem>>, %arg4: memref<784x128xf32, #tpu.memory_space<vmem>>, %arg5: memref<784x128xf32, #tpu.memory_space<vmem>>, %arg6: memref<784x128xf32, #tpu.memory_space<vmem>>, %arg7: memref<784x128xf32, #tpu.memory_space<vmem>>, %arg8: memref<784x128xf32, #tpu.memory_space<vmem>>, %arg9: memref<4xf32, #tpu.memory_space<smem>>, %arg10: memref<8xf32, #tpu.memory_space<smem>>, %arg11: memref<784x128xf32, #tpu.memory_space<vmem>>, %arg12: memref<784x128xf32, #tpu.memory_space<vmem>>) attributes {dimension_semantics = [], scalar_prefetch = 0 : i64, scratch_operands = 0 : i64, tpu.core_type = #tpu.core_type<tc>} {
    %get3A = arith.constant 0 : index
    %get3A_0 = arith.constant 0 : index
    %get3A_1 = vector.load %arg0[%get3A, %get3A_0] : memref<784x128xf32, #tpu.memory_space<vmem>>, vector<784x128xf32>
    %get3A_2 = arith.constant 0 : index
    %get3A_3 = arith.constant 0 : index
    %get3A_4 = vector.load %arg1[%get3A_2, %get3A_3] : memref<784x128xf32, #tpu.memory_space<vmem>>, vector<784x128xf32>
    %get3A_5 = arith.constant 0 : index
    %get3A_6 = arith.constant 0 : index
    %get3A_7 = vector.load %arg5[%get3A_5, %get3A_6] : memref<784x128xf32, #tpu.memory_space<vmem>>, vector<784x128xf32>
    %add3A = arith.addf %get3A_4, %get3A_7 : vector<784x128xf32>
    %mul3A = arith.mulf %get3A_1, %add3A : vector<784x128xf32>
    %get3A_8 = arith.constant 0 : index
    %get3A_9 = memref.load %arg9[%get3A_8] : memref<4xf32, #tpu.memory_space<smem>>
    %add3A_10 = vector.broadcast %get3A_9 : f32 to vector<784x128xf32>
    %add3A_11 = arith.addf %mul3A, %add3A_10 : vector<784x128xf32>
    %max3A = arith.constant 0.000000e+00 : f32
    %max3A_12 = vector.broadcast %max3A : f32 to vector<784x128xf32>
    %max3A_13 = arith.maximumf %add3A_11, %max3A_12 : vector<784x128xf32>
    %get3A_14 = arith.constant 0 : index
    %get3A_15 = arith.constant 0 : index
    %get3A_16 = vector.load %arg2[%get3A_14, %get3A_15] : memref<784x128xf32, #tpu.memory_space<vmem>>, vector<784x128xf32>
    %get3A_17 = arith.constant 0 : index
    %get3A_18 = arith.constant 0 : index
    %get3A_19 = vector.load %arg6[%get3A_17, %get3A_18] : memref<784x128xf32, #tpu.memory_space<vmem>>, vector<784x128xf32>
    %add3A_20 = arith.addf %get3A_16, %get3A_19 : vector<784x128xf32>
    %mul3A_21 = arith.mulf %get3A_1, %add3A_20 : vector<784x128xf32>
    %get3A_22 = arith.constant 1 : index
    %get3A_23 = memref.load %arg9[%get3A_22] : memref<4xf32, #tpu.memory_space<smem>>
    %add3A_24 = vector.broadcast %get3A_23 : f32 to vector<784x128xf32>
    %add3A_25 = arith.addf %mul3A_21, %add3A_24 : vector<784x128xf32>
    %max3A_26 = arith.constant 0.000000e+00 : f32
    %max3A_27 = vector.broadcast %max3A_26 : f32 to vector<784x128xf32>
    %max3A_28 = arith.maximumf %add3A_25, %max3A_27 : vector<784x128xf32>
    %get3A_29 = arith.constant 0 : index
    %get3A_30 = arith.constant 0 : index
    %get3A_31 = vector.load %arg3[%get3A_29, %get3A_30] : memref<784x128xf32, #tpu.memory_space<vmem>>, vector<784x128xf32>
    %get3A_32 = arith.constant 0 : index
    %get3A_33 = arith.constant 0 : index
    %get3A_34 = vector.load %arg7[%get3A_32, %get3A_33] : memref<784x128xf32, #tpu.memory_space<vmem>>, vector<784x128xf32>
    %add3A_35 = arith.addf %get3A_31, %get3A_34 : vector<784x128xf32>
    %mul3A_36 = arith.mulf %get3A_1, %add3A_35 : vector<784x128xf32>
    %get3A_37 = arith.constant 2 : index
    %get3A_38 = memref.load %arg9[%get3A_37] : memref<4xf32, #tpu.memory_space<smem>>
    %add3A_39 = vector.broadcast %get3A_38 : f32 to vector<784x128xf32>
    %add3A_40 = arith.addf %mul3A_36, %add3A_39 : vector<784x128xf32>
    %max3A_41 = arith.constant 0.000000e+00 : f32
    %max3A_42 = vector.broadcast %max3A_41 : f32 to vector<784x128xf32>
    %max3A_43 = arith.maximumf %add3A_40, %max3A_42 : vector<784x128xf32>
    %get3A_44 = arith.constant 0 : index
    %get3A_45 = arith.constant 0 : index
    %get3A_46 = vector.load %arg4[%get3A_44, %get3A_45] : memref<784x128xf32, #tpu.memory_space<vmem>>, vector<784x128xf32>
    %get3A_47 = arith.constant 0 : index
    %get3A_48 = arith.constant 0 : index
    %get3A_49 = vector.load %arg8[%get3A_47, %get3A_48] : memref<784x128xf32, #tpu.memory_space<vmem>>, vector<784x128xf32>
    %add3A_50 = arith.addf %get3A_46, %get3A_49 : vector<784x128xf32>
    %mul3A_51 = arith.mulf %get3A_1, %add3A_50 : vector<784x128xf32>
    %get3A_52 = arith.constant 3 : index
    %get3A_53 = memref.load %arg9[%get3A_52] : memref<4xf32, #tpu.memory_space<smem>>
    %add3A_54 = vector.broadcast %get3A_53 : f32 to vector<784x128xf32>
    %add3A_55 = arith.addf %mul3A_51, %add3A_54 : vector<784x128xf32>
    %max3A_56 = arith.constant 0.000000e+00 : f32
    %max3A_57 = vector.broadcast %max3A_56 : f32 to vector<784x128xf32>
    %max3A_58 = arith.maximumf %add3A_55, %max3A_57 : vector<784x128xf32>
    %get3A_59 = arith.constant 0 : index
    %get3A_60 = memref.load %arg10[%get3A_59] : memref<8xf32, #tpu.memory_space<smem>>
    %mul3A_61 = vector.broadcast %get3A_60 : f32 to vector<784x128xf32>
    %mul3A_62 = arith.mulf %max3A_13, %mul3A_61 : vector<784x128xf32>
    %get3A_63 = arith.constant 2 : index
    %get3A_64 = memref.load %arg10[%get3A_63] : memref<8xf32, #tpu.memory_space<smem>>
    %mul3A_65 = vector.broadcast %get3A_64 : f32 to vector<784x128xf32>
    %mul3A_66 = arith.mulf %max3A_28, %mul3A_65 : vector<784x128xf32>
    %add3A_67 = arith.addf %mul3A_62, %mul3A_66 : vector<784x128xf32>
    %get3A_68 = arith.constant 4 : index
    %get3A_69 = memref.load %arg10[%get3A_68] : memref<8xf32, #tpu.memory_space<smem>>
    %mul3A_70 = vector.broadcast %get3A_69 : f32 to vector<784x128xf32>
    %mul3A_71 = arith.mulf %max3A_43, %mul3A_70 : vector<784x128xf32>
    %add3A_72 = arith.addf %add3A_67, %mul3A_71 : vector<784x128xf32>
    %get3A_73 = arith.constant 6 : index
    %get3A_74 = memref.load %arg10[%get3A_73] : memref<8xf32, #tpu.memory_space<smem>>
    %mul3A_75 = vector.broadcast %get3A_74 : f32 to vector<784x128xf32>
    %mul3A_76 = arith.mulf %max3A_58, %mul3A_75 : vector<784x128xf32>
    %add3A_77 = arith.addf %add3A_72, %mul3A_76 : vector<784x128xf32>
    %mul3A_78 = arith.mulf %add3A_77, %get3A_1 : vector<784x128xf32>
    %swap3A = arith.constant 0 : index
    %swap3A_79 = arith.constant 0 : index
    %swap3A_80 = vector.load %arg11[%swap3A, %swap3A_79] : memref<784x128xf32, #tpu.memory_space<vmem>>, vector<784x128xf32>
    tpu.vector_store %arg11[%swap3A, %swap3A_79], %mul3A_78 {strides = array<i32>} : memref<784x128xf32, #tpu.memory_space<vmem>>, vector<784x128xf32>,
    %get3A_81 = arith.constant 1 : index
    %get3A_82 = memref.load %arg10[%get3A_81] : memref<8xf32, #tpu.memory_space<smem>>
    %mul3A_83 = vector.broadcast %get3A_82 : f32 to vector<784x128xf32>
    %mul3A_84 = arith.mulf %max3A_13, %mul3A_83 : vector<784x128xf32>
    %get3A_85 = arith.constant 3 : index
    %get3A_86 = memref.load %arg10[%get3A_85] : memref<8xf32, #tpu.memory_space<smem>>
    %mul3A_87 = vector.broadcast %get3A_86 : f32 to vector<784x128xf32>
    %mul3A_88 = arith.mulf %max3A_28, %mul3A_87 : vector<784x128xf32>
    %add3A_89 = arith.addf %mul3A_84, %mul3A_88 : vector<784x128xf32>
    %get3A_90 = arith.constant 5 : index
    %get3A_91 = memref.load %arg10[%get3A_90] : memref<8xf32, #tpu.memory_space<smem>>
    %mul3A_92 = vector.broadcast %get3A_91 : f32 to vector<784x128xf32>
    %mul3A_93 = arith.mulf %max3A_43, %mul3A_92 : vector<784x128xf32>
    %add3A_94 = arith.addf %add3A_89, %mul3A_93 : vector<784x128xf32>
    %get3A_95 = arith.constant 7 : index
    %get3A_96 = memref.load %arg10[%get3A_95] : memref<8xf32, #tpu.memory_space<smem>>
    %mul3A_97 = vector.broadcast %get3A_96 : f32 to vector<784x128xf32>
    %mul3A_98 = arith.mulf %max3A_58, %mul3A_97 : vector<784x128xf32>
    %add3A_99 = arith.addf %add3A_94, %mul3A_98 : vector<784x128xf32>
    %mul3A_100 = arith.mulf %add3A_99, %get3A_1 : vector<784x128xf32>
    %swap3A_101 = arith.constant 0 : index
    %swap3A_102 = arith.constant 0 : index
    %swap3A_103 = vector.load %arg12[%swap3A_101, %swap3A_102] : memref<784x128xf32, #tpu.memory_space<vmem>>, vector<784x128xf32>
    tpu.vector_store %arg12[%swap3A_101, %swap3A_102], %mul3A_100 {strides = array<i32>} : memref<784x128xf32, #tpu.memory_space<vmem>>, vector<784x128xf32>,
    return
  }
}

module attributes {stable_mosaic.version = 14 : i64} {
  func.func @_fin_body(%arg0: memref<784x128xf32, #tpu.memory_space<vmem>>, %arg1: memref<784x128xf32, #tpu.memory_space<vmem>>, %arg2: memref<784x128xf32, #tpu.memory_space<vmem>>, %arg3: memref<784x128xf32, #tpu.memory_space<vmem>>, %arg4: memref<784x128xf32, #tpu.memory_space<vmem>>, %arg5: memref<2xf32, #tpu.memory_space<smem>>, %arg6: memref<784x128xf32, #tpu.memory_space<vmem>>, %arg7: memref<784x128xf32, #tpu.memory_space<vmem>>) attributes {dimension_semantics = [], scalar_prefetch = 0 : i64, scratch_operands = 0 : i64, tpu.core_type = #tpu.core_type<tc>} {
    %get3A = arith.constant 0 : index
    %get3A_0 = arith.constant 0 : index
    %get3A_1 = vector.load %arg0[%get3A, %get3A_0] : memref<784x128xf32, #tpu.memory_space<vmem>>, vector<784x128xf32>
    %get3A_2 = arith.constant 0 : index
    %get3A_3 = arith.constant 0 : index
    %get3A_4 = vector.load %arg1[%get3A_2, %get3A_3] : memref<784x128xf32, #tpu.memory_space<vmem>>, vector<784x128xf32>
    %get3A_5 = arith.constant 0 : index
    %get3A_6 = arith.constant 0 : index
    %get3A_7 = vector.load %arg3[%get3A_5, %get3A_6] : memref<784x128xf32, #tpu.memory_space<vmem>>, vector<784x128xf32>
    %add3A = arith.addf %get3A_4, %get3A_7 : vector<784x128xf32>
    %mul3A = arith.mulf %get3A_1, %add3A : vector<784x128xf32>
    %get3A_8 = arith.constant 0 : index
    %get3A_9 = memref.load %arg5[%get3A_8] : memref<2xf32, #tpu.memory_space<smem>>
    %add3A_10 = vector.broadcast %get3A_9 : f32 to vector<784x128xf32>
    %add3A_11 = arith.addf %mul3A, %add3A_10 : vector<784x128xf32>
    %get3A_12 = arith.constant 0 : index
    %get3A_13 = arith.constant 0 : index
    %get3A_14 = vector.load %arg2[%get3A_12, %get3A_13] : memref<784x128xf32, #tpu.memory_space<vmem>>, vector<784x128xf32>
    %get3A_15 = arith.constant 0 : index
    %get3A_16 = arith.constant 0 : index
    %get3A_17 = vector.load %arg4[%get3A_15, %get3A_16] : memref<784x128xf32, #tpu.memory_space<vmem>>, vector<784x128xf32>
    %add3A_18 = arith.addf %get3A_14, %get3A_17 : vector<784x128xf32>
    %mul3A_19 = arith.mulf %get3A_1, %add3A_18 : vector<784x128xf32>
    %get3A_20 = arith.constant 1 : index
    %get3A_21 = memref.load %arg5[%get3A_20] : memref<2xf32, #tpu.memory_space<smem>>
    %add3A_22 = vector.broadcast %get3A_21 : f32 to vector<784x128xf32>
    %add3A_23 = arith.addf %mul3A_19, %add3A_22 : vector<784x128xf32>
    %max3A = arith.maximumf %add3A_11, %add3A_23 : vector<784x128xf32>
    %sub3A = arith.subf %add3A_11, %max3A : vector<784x128xf32>
    %exp3A = math.exp %sub3A : vector<784x128xf32>
    %sub3A_24 = arith.subf %add3A_23, %max3A : vector<784x128xf32>
    %exp3A_25 = math.exp %sub3A_24 : vector<784x128xf32>
    %add3A_26 = arith.addf %exp3A, %exp3A_25 : vector<784x128xf32>
    %div3A = arith.constant 1.000000e+00 : f32
    %div3A_27 = vector.broadcast %div3A : f32 to vector<784x128xf32>
    %div3A_28 = arith.divf %div3A_27, %add3A_26 : vector<784x128xf32>
    %mul3A_29 = arith.mulf %exp3A, %div3A_28 : vector<784x128xf32>
    %swap3A = arith.constant 0 : index
    %swap3A_30 = arith.constant 0 : index
    %swap3A_31 = vector.load %arg6[%swap3A, %swap3A_30] : memref<784x128xf32, #tpu.memory_space<vmem>>, vector<784x128xf32>
    tpu.vector_store %arg6[%swap3A, %swap3A_30], %mul3A_29 {strides = array<i32>} : memref<784x128xf32, #tpu.memory_space<vmem>>, vector<784x128xf32>,
    %mul3A_32 = arith.mulf %exp3A_25, %div3A_28 : vector<784x128xf32>
    %swap3A_33 = arith.constant 0 : index
    %swap3A_34 = arith.constant 0 : index
    %swap3A_35 = vector.load %arg7[%swap3A_33, %swap3A_34] : memref<784x128xf32, #tpu.memory_space<vmem>>, vector<784x128xf32>
    tpu.vector_store %arg7[%swap3A_33, %swap3A_34], %mul3A_32 {strides = array<i32>} : memref<784x128xf32, #tpu.memory_space<vmem>>, vector<784x128xf32>,
    return
  }
}

</mosaic_0001>

<sc_bundles>
// kernel: kernel.12.cloned.1.call-start
scs
__scs_entry_jumppad:
0x0: {  	(pc) =	sbr.rel $0x88, $3  }
0x1: {  	(tag) =	ssettag $0x0;
	lr =	simm.s32 $0x1  }
0x2: {  	[smem:$0x3F9B] =	sst lr;
	_ =	strace $0xD0000000  }
0x3: {  	_ = 	snop  }
0x4: {  	_ = 	snop  }
0x5: {  	_ = 	snop  }
0x6: {  	_ = 	snop  }
0x7: {  	_ = 	snop  }
__scs_overlays_trampoline_lowered:
0x8: {  	[smem:$0x3FAA] =	sst s0  }
0x9: {  	[smem:$0x3FAB] =	sst s1  }
0xa: {  	[smem:$0x3FAC] =	sst s2  }
0xb: {  	[smem:$0x3FAD] =	sst s3  }
0xc: {  	[smem:$0x3FAE] =	sst s4  }
0xd: {  	[smem:$0x3FAF] =	sst s5  }
0xe: {  	[smem:$0x3FB0] =	sst s6  }
0xf: {  	[smem:$0x3FB1] =	sst s7  }
0x10: {  	[smem:$0x3FB2] =	sst s8  }
0x11: {  	[smem:$0x3FB3] =	sst s9;
	s0 =	simm.s32 @!p0 $0x0  }
0x12: {  	s1 =	sld [smem:$0x3F99];
	s0 =	simm.s32 @p0 $0x1  }
0x13: {  	[smem:$0x3FB4] =	sst s0;
	s0 =	simm.s32 @!p1 $0x0  }
0x14: {  	s2 =	sld [smem:$0x3F98];
	s0 =	simm.s32 @p1 $0x1  }
0x15: {  	[smem:$0x3FB5] =	sst s0;
	s0 =	simm.s32 @!p2 $0x0  }
0x16: {  	s3 =	sld [smem:$0x3FDB];
	s0 =	simm.s32 @p2 $0x1  }
0x17: {  	s4 =	simm.s32 $0x1BF5;
	[smem:$0x3FB7] =	sst s0  }
0x18: {  	s0 =	sld [smem:$0x3F9A];
	_ =	swait.ge [sflag:s4], $0x0  }
0x19: {  	s7 =	sld [smem:$0x3F9B]  }
0x1a: {  	s8 =	sadd.s32 $0xFFFFE003, lr  }
0x1b: {  	s9 =	sadd.s32 $0xFFFFFEF7, lr;
	s5 =	simm.s32 $0xFFFFFFFF;
	p2 =	slt.u32 s8, $0xFFFFF086  }
0x1c: {  	p1 =	slt.u32 s9, $0xF7A;
	s5 =	simm.s32 @!p2 $0x0  }
0x1d: {  	s5 =	simm.s32 @p1 $0x1;
	p0 =	seq.s32 s7, s2  }
0x1e: {  	s7 =	smul.u32 @!p0 $0xF7A, s2;
	p2 =	seq.s32 @!p0 s5, $0x0  }
0x1f: {  	s9 =	smul.u32 $0xF7A, s1;
	s8 =	simm.s32 @!p0 $0x1BF5;
	p2 =	por !p2, p0  }
0x20: {  	[sflag:s8] =	ssyncset.s32 @!p0 $0xFFFFF086;
	s6 =	sadd.s32 @!p0 s3, s7;
	s7 =	simm.s32 @!p0 $0x108  }
0x21: {  	s3 =	sadd.s32 s3, s9;
	s6 =	sadd.s32 @!p0 $0x88, s6;
	s7 =	simm.s32 @p2 $0x1082  }
0x22: {  	[simem:s7], [sflag:s8] =	dma.local @!p0 [hbm:s6], $0xF7A  }
0x23: {  	s9 =	sor.u32 $0xD0000000, s2;
	s6 =	simm.s32 $0x108;
	_ =	swait.ge @!p0 [sflag:s8], $0x0  }
0x24: {  	s3 =	sadd.s32 $0x88, s3;
	s6 =	simm.s32 @!p1 $0x1082;
	[sflag:s4] =	ssyncset.s32 $0xFFFFF086  }
0x25: {  	[simem:s6], [sflag:s4] =	dma.local [hbm:s3], $0xF7A  }
0x26: {  	[smem:$0x3F9B] =	sst s1;
	(tag) =	ssettag s2;
	_ =	strace s9  }
0x27: {  	s1 =	sld [smem:$0x3FAB]  }
0x28: {  	s2 =	sld [smem:$0x3FAC]  }
0x29: {  	s4 =	sld [smem:$0x3FAE]  }
0x2a: {  	p0 =	seq.s32 s5, $0x0;
	s5 =	sld [smem:$0x3FAF]  }
0x2b: {  	s6 =	sld [smem:$0x3FB0]  }
0x2c: {  	s7 =	sld [smem:$0x3FB1]  }
0x2d: {  	s3 =	simm.s32 $0x108;
	s8 =	sld [smem:$0x3FB2]  }
0x2e: {  	s3 =	simm.s32 @!p0 $0x1082;
	s9 =	sld [smem:$0x3FB3]  }
0x2f: {  	lr =	sadd.s32 s0, s3;
	s0 =	sld [smem:$0x3FAA]  }
0x30: {  	s3 =	sld [smem:$0x3FAD]  }
0x31: {  	[smem:$0x3FB6] =	sst s10  }
0x32: {  	s10 =	sld [smem:$0x3FB4];
	_ =	sdelay $0x3  }
0x33: {  	p0 =	seq.s32 s10, $0x1;
	s10 =	sld [smem:$0x3FB6];
	_ =	sdelay $0x3  }
0x34: {  	[smem:$0x3FB6] =	sst s10  }
0x35: {  	s10 =	sld [smem:$0x3FB5];
	_ =	sdelay $0x3  }
0x36: {  	p1 =	seq.s32 s10, $0x1;
	s10 =	sld [smem:$0x3FB6];
	_ =	sdelay $0x3  }
0x37: {  	[smem:$0x3FB6] =	sst s10  }
0x38: {  	s10 =	sld [smem:$0x3FB7]  }
0x39: {  	_ = 	snop;
	(pc) =	sbr.ind lr, $3  }
0x3a: {  	_ = 	snop  }
0x3b: {  	_ = 	snop  }
0x3c: {  	p2 =	seq.s32 s10, $0x1;
	s10 =	sld [smem:$0x3FB6]  }
0x3d: {  	_ =	shalt  }
0x3e: {  	_ =	shalt  }
0x3f: {  	_ =	shalt  }
0x40: {  	_ =	shalt  }
0x41: {  	_ =	shalt  }
0x42: {  	_ =	shalt  }
0x43: {  	_ =	shalt  }
0x44: {  	_ =	shalt  }
0x45: {  	_ =	shalt  }
0x46: {  	_ =	shalt  }
0x47: {  	_ =	shalt  }
0x48: {  	_ =	shalt  }
0x49: {  	_ =	shalt  }
0x4a: {  	_ =	shalt  }
0x4b: {  	_ =	shalt  }
0x4c: {  	_ =	shalt  }
0x4d: {  	_ =	shalt  }
0x4e: {  	_ =	shalt  }
0x4f: {  	_ =	shalt  }
0x50: {  	_ =	shalt  }
0x51: {  	_ =	shalt  }
0x52: {  	_ =	shalt  }
0x53: {  	_ =	shalt  }
0x54: {  	_ =	shalt  }
0x55: {  	_ =	shalt  }
0x56: {  	_ =	shalt  }
0x57: {  	_ =	shalt  }
0x58: {  	_ =	shalt  }
0x59: {  	_ =	shalt  }
0x5a: {  	_ =	shalt  }
0x5b: {  	_ =	shalt  }
0x5c: {  	_ =	shalt  }
0x5d: {  	_ =	shalt  }
0x5e: {  	_ =	shalt  }
0x5f: {  	_ =	shalt  }
0x60: {  	_ =	shalt  }
0x61: {  	_ =	shalt  }
0x62: {  	_ =	shalt  }
0x63: {  	_ =	shalt  }
0x64: {  	_ =	shalt  }
0x65: {  	_ =	shalt  }
0x66: {  	_ =	shalt  }
0x67: {  	_ =	shalt  }
0x68: {  	_ =	shalt  }
0x69: {  	_ =	shalt  }
0x6a: {  	_ =	shalt  }
0x6b: {  	_ =	shalt  }
0x6c: {  	_ =	shalt  }
0x6d: {  	_ =	shalt  }
0x6e: {  	_ =	shalt  }
0x6f: {  	_ =	shalt  }
0x70: {  	_ =	shalt  }
0x71: {  	_ =	shalt  }
0x72: {  	_ =	shalt  }
0x73: {  	_ =	shalt  }
0x74: {  	_ =	shalt  }
0x75: {  	_ =	shalt  }
0x76: {  	_ =	shalt  }
0x77: {  	_ =	shalt  }
0x78: {  	_ =	shalt  }
0x79: {  	_ =	shalt  }
0x7a: {  	_ =	shalt  }
0x7b: {  	_ =	shalt  }
0x7c: {  	_ =	shalt  }
0x7d: {  	_ =	shalt  }
0x7e: {  	_ =	shalt  }
0x7f: {  	_ =	shalt  }
0x80: {  	_ =	shalt  }
0x81: {  	_ =	shalt  }
0x82: {  	_ =	shalt  }
0x83: {  	_ =	shalt  }
0x84: {  	_ =	shalt  }
0x85: {  	_ =	shalt  }
0x86: {  	_ =	shalt  }
0x87: {  	_ =	shalt  }
.Lfunc_end0:
.L_simem_size_0:
called_computation.1_lowered:
.L_overlay_start_0:
0x88: {  	s2 =	sld [smem:$0x3FD9]  }
0x89: {  	s3 =	sld [smem:$0x3FFE];
	_ =	sdelay $0x1  }
0x8a: {  	s1 =	srdreg.scid  }
0x8b: {  	s0 =	sand.u32 $0x1, s1  }
0x8c: {  	s17 =	sshll.u32 s0, $0xA;
	s2 =	sadd.s32 s3, s2  }
0x8d: {  	s2 =	sadd.s32 s2, s17  }
0x8e: {  	[smem:$0x3FC2] =	sst s2  }
0x8f: {  	_ = 	snop  }
0x90: {  	s2 =	sld [smem:$0x3FD0];
	(tm) =	ssettm $0x1  }
0x91: {  	s18 =	sld [smem:$0x3FFB];
	_ =	sdelay $0x3  }
0x92: {  	_ =	strace s18  }
0x93: {  	s3 =	sld [smem:$0x3FFC];
	_ =	sdelay $0x3  }
0x94: {  	_ =	strace s3  }
0x95: {  	s3 =	sld [smem:$0x3FFD];
	_ =	sdelay $0x3  }
0x96: {  	_ =	strace s3  }
0x97: {  	_ =	strace $0x8FFFFFFF  }
0x98: {  	s19 =	sld [smem:$0x3FDB];
	_ =	sdelay $0x1  }
0x99: {  	s4 =	simm.s32 $_scs_section_size  }
0x9a: {  	s5 =	simm.s32 $_size__tile_overlayer_lowered;
	s6 =	simm.s32 $_tile_overlayer_lowered  }
0x9b: {  	s22 =	simm.s32 $0x1BFF;
	s21 =	sshll.u32 s6, $0x1;
	s3 =	sadd.s32 s4, s19  }
0x9c: {  	s7 =	simm.s32 $0x0;
	s20 =	sshll.u32 s5, $0x1;
	s5 =	sadd.s32 s21, s3  }
0x9d: {  	[timem:s7], [sflag:s22] =	dma.local [hbm:s5], s20  }
0x9e: {  	_ =	swait.ge [sflag:s22], s20  }
0x9f: {  	s4 =	ssub.s32 $0x0, s20;
	[sflag:s22] =	ssyncset.done $0x0  }
0xa0: {  	[sflag:s22] =	ssyncadd.s32 s4;
	_ =	sdelay $0x1  }
0xa1: {  	s23 =	simm.s32 $0x1B8B  }
0xa2: {  	_ =	swait.ge [sflag:s23], $0x1  }
0xa3: {  	[sflag:s23] =	ssyncset.done $0x0  }
0xa4: {  	s25 =	simm.s32 $0x1B8E;
	s24 =	sld [smem:$0x3FFE];
	[sflag:s23] =	ssyncadd.s32 $0xFFFFFFFF  }
0xa5: {  	s26 =	simm.s32 $execute0_lowered;
	[smem:$0x3FD2] =	sst s25  }
0xa6: {  	s5 =	sshll.u32 s26, $0x1;
	_ =	strace $0x80000049;
	[dreg:$0x1] =	wrdreg $0xFFFFFFFF  }
0xa7: {  	s28 =	simm.s32 $_size_execute0_lowered;
	s3 =	sadd.s32 s3, s5;
	[dreg:$0x0] =	wrdreg $0x0  }
0xa8: {  	s5 =	sshll.u32 s28, $0x1;
	[dreg:$0x2] =	wrdreg s3  }
0xa9: {  	[dreg:$0x3] =	wrdreg s5  }
0xaa: {  	[dreg:$0x4] =	wrdreg $0xC0  }
0xab: {  	_ =	task [dreg:s7], $0x5FFFF  }
0xac: {  	[dreg:$0x1] =	wrdreg $0xFFFFFFFF  }
0xad: {  	[dreg:$0x0] =	wrdreg $0x60  }
0xae: {  	[dreg:$0x2] =	wrdreg s24  }
0xaf: {  	[dreg:$0x3] =	wrdreg s2  }
0xb0: {  	[dreg:$0x4] =	wrdreg $0xED000  }
0xb1: {  	[dreg:$0x5] =	wrdreg $0x105800  }
0xb2: {  	[dreg:$0x6] =	wrdreg $0x11E000  }
0xb3: {  	[dreg:$0x7] =	wrdreg $0x136800  }
0xb4: {  	[dreg:$0x8] =	wrdreg $0x14F000  }
0xb5: {  	[dreg:$0x9] =	wrdreg $0x167800  }
0xb6: {  	[dreg:$0xa] =	wrdreg $0x180000  }
0xb7: {  	[dreg:$0xb] =	wrdreg $0x198800  }
0xb8: {  	[dreg:$0xc] =	wrdreg $0x9  }
0xb9: {  	_ =	task.clear_ibuf [dreg:s7], $0xDFFFF;
	_ =	strace $0x90000049  }
0xba: {  	s29 =	simm.s32 $0x9;
	_ =	strace $0x8000004B  }
0xbb: {  	_ =	swait.ge [sflag:s29], $0x1  }
0xbc: {  	[sflag:s29] =	ssyncadd.s32 $0xFFFFFFFF  }
0xbd: {  	_ =	strace $0x9000004B  }
0xbe: {  	_ =	sfence  }
0xbf: {  	s30 =	sld [smem:$0x0];
	_ =	sdelay $0x2  }
0xc0: {  	s31 =	sshll.u32 s1, $0xD;
	s1 =	sshrl.u32 s1, $0x2  }
0xc1: {  	s3 =	sand.u32 $0x4000, s31;
	s1 =	sadd.s32 s1, s30  }
0xc2: {  	s0 =	sor.u32 s3, s0;
	s1 =	sshll.u32 s1, $0x11  }
0xc3: {  	s0 =	sor.u32 s1, s0  }
0xc4: {  	s0 =	sadd.s32 $0x8F2B, s0  }
0xc5: {  	[sflag:s0] =	ssyncadd.remote.s32 $0x1  }
0xc6: {  	_ =	sfence.sel $0xFFFF  }
0xc7: {  	[dreg:$0x0] =	wrdreg $0xFFFFFFFF;
	(pc) =	sbr.abs _section_cstart, $3  }
0xc8: {  	[dreg:$0x1] =	wrdreg $0xFFFFFFFF  }
0xc9: {  	_ =	task.clear_ibuf [dreg:s7], $0x2FFFF;
	_ =	strace $0x9FFFFFFF  }
0xca: {  	(tm) =	ssettm $0x7FFFFFFF  }
0xcb: {  	_ =	shalt  }
tec
execute0_lowered:
.L_overlay_start_1:
0x0: {  	(tag) =	ssettag $0x1  }
0x1: {  	s5 =	rddreg [dreg:$0x0]  }
0x2: {  	s7 =	rddreg [dreg:$0x1]  }
0x3: {  	s0 =	rddreg [dreg:$0x2]  }
0x4: {  	s1 =	rddreg [dreg:$0x3]  }
0x5: {  	s2 =	rddreg [dreg:$0x4]  }
0x6: {  	s3 =	rddreg [dreg:$0x5]  }
0x7: {  	s4 =	rddreg [dreg:$0x6]  }
0x8: {  	s6 =	rddreg [dreg:$0x7]  }
0x9: {  	s9 =	srdreg.scid;
	s8 =	rddreg [dreg:$0x8]  }
0xa: {  	s24 =	stileid.u32;
	s10 =	simm.s32 $0x0;
	s28 =	simm.s32 $0x0  }
0xb: {  	s11 =	sand.u32 $0x1, s9;
	s9 =	rddreg [dreg:$0x9];
	s13 =	smul.u32 $0xC350, s24  }
0xc: {  	s14 =	smul.u32 $0x1880, s24;
	[smem:$0x7FF] =	sst s10;
	s17 =	sadd.s32 $0x76E00, s5  }
0xd: {  	s18 =	sadd.s32 $0x7A000, s5;
	s20 =	sadd.s32 $0x7D200, s5;
	s21 =	sadd.s32 $0x80400, s5  }
0xe: {  	s23 =	sadd.s32 $0x83600, s5;
	s12 =	smul.u32 $0xC3500, s11;
	_ =	strace $0x8000004A  }
0xf: {  	s19 =	ssub.s32 $0x2, s11;
	p0 =	seq.s32 s11, $0x0;
	s15 =	sshrl.u32 s14, $0x3  }
0x10: {  	s22 =	sshrl.u32 s19, $0x1;
	s11 =	sadd.s32 s14, s0;
	s23 =	smov.u32 @p0 s17  }
0x11: {  	s17 =	sadd.s32 s14, s1;
	s12 =	sadd.s32 s13, s12;
	s16 =	sadd.s32 s15, s5  }
0x12: {  	s13 =	sadd.s32 $0x73C00, s5;
	s22 =	ssub.s32 s19, s22;
	s29 =	sadd.s32 s23, s15  }
0x13: {  	s19 =	sadd.s32 $0x86800, s5;
	s23 =	sshrl.u32 s11, $0x3;
	[dreg:$0xe] =	wrdreg s29  }
0x14: {  	s12 =	sshrl.u32 s12, $0x3;
	s31 =	sadd.s32 $0x67400, s16;
	[dreg:$0x18] =	wrdreg s23  }
0x15: {  	s21 =	smov.u32 @p0 s13;
	s25 =	sadd.s32 $0x6A600, s16;
	[dreg:$0xb] =	wrdreg s31  }
0x16: {  	s13 =	sadd.s32 s7, s15;
	s7 =	sadd.s32 $0x70A00, s16;
	[dreg:$0xc] =	wrdreg s25  }
0x17: {  	s19 =	smov.u32 @p0 s18;
	s22 =	smax.u32 s22, $0x1;
	[dreg:$0x12] =	wrdreg s7  }
0x18: {  	s18 =	sadd.s32 s14, s2;
	s29 =	sshrl.u32 s17, $0x3;
	[dreg:$0x17] =	wrdreg s22  }
0x19: {  	s17 =	simm.s32 $0x1;
	s26 =	sadd.s32 s21, s15;
	[dreg:$0x19] =	wrdreg s29  }
0x1a: {  	s23 =	simm.s32 $0x9E00;
	s30 =	sadd.s32 s19, s15;
	[dreg:$0xd] =	wrdreg s26  }
0x1b: {  	s12 =	sadd.s32 s12, s5;
	s31 =	sadd.s32 $0x6D800, s16;
	[dreg:$0xf] =	wrdreg s30  }
0x1c: {  	s5 =	sadd.s32 $0x89A00, s5;
	s16 =	sadd.s32 s14, s4;
	[dreg:$0x11] =	wrdreg s31  }
0x1d: {  	s19 =	sadd.s32 s14, s6;
	s21 =	sadd.s32 s14, s9;
	[dreg:$0x13] =	wrdreg s16  }
0x1e: {  	s22 =	simm.s32 $0x7680;
	s5 =	smov.u32 @p0 s20;
	[dreg:$0x14] =	wrdreg s19  }
0x1f: {  	s20 =	sadd.s32 s14, s8;
	[dreg:$0x16] =	wrdreg s21;
	s25 =	sadd.s32 $0x36600, s12  }
0x20: {  	s26 =	sadd.s32 $0x5800, s12;
	s30 =	sshrl.u32 s18, $0x3;
	s31 =	sshll.u32 s24, $0x6  }
0x21: {  	s16 =	simm.s32 $0x2780;
	s21 =	simm.s32 $0x4F00;
	[dreg:$0x15] =	wrdreg s20  }
0x22: {  	s24 =	simm.s32 $0xC580;
	s5 =	sadd.s32 s5, s15;
	[dreg:$0x1a] =	wrdreg s30  }
0x23: {  	s15 =	sadd.s32 s14, s3;
	[dreg:$0x1b] =	wrdreg s31;
	s14 =	simm.s32 $0x3  }
0x24: {  	s20 =	simm.s32 $0x2710;
	[dreg:$0x10] =	wrdreg s5;
	s5 =	sshrl.u32 s15, $0x3  }
0x25: {  	s15 =	simm.s32 $0x2;
	[dreg:$0x1c] =	wrdreg s5;
	s5 =	sor.u32 $0x1C02, s31  }
.LBB2_1:
0x26: {  	s11 =	rddreg [dreg:$0xb]  }
0x27: {  	s7 =	rddreg [dreg:$0x18]  }
0x28: {  	[spmem:s7], [sflag:s5] =	dma.local [hbm:s11], $0x310  }
0x29: {  	s12 =	rddreg [dreg:$0xc]  }
0x2a: {  	s7 =	rddreg [dreg:$0x19]  }
0x2b: {  	[spmem:s7], [sflag:s5] =	dma.local [hbm:s12], $0x310  }
0x2c: {  	s18 =	rddreg [dreg:$0x11]  }
0x2d: {  	s7 =	rddreg [dreg:$0x1a]  }
0x2e: {  	[spmem:s7], [sflag:s5] =	dma.local [hbm:s18], $0x310  }
0x2f: {  	s19 =	rddreg [dreg:$0x12]  }
0x30: {  	s7 =	rddreg [dreg:$0x1c]  }
0x31: {  	[spmem:s7], [sflag:s5] =	dma.local [hbm:s19], $0x310  }
0x32: {  	s7 =	smov.u32 s13;
	s29 =	rddreg [dreg:$0x1b]  }
0x33: {  	s7 =	smov.u32 @p0 s11;
	s11 =	sor.u32 $0x1C03, s29;
	s29 =	rddreg [dreg:$0x13]  }
0x34: {  	s29 =	sshrl.u32 s29, $0x3  }
0x35: {  	[dreg:$0x1d] =	wrdreg s29  }
0x36: {  	[spmem:s29], [sflag:s11] =	dma.local [hbm:s7], $0x310  }
0x37: {  	_ =	swait.ge [sflag:s14], $0x310  }
0x38: {  	s7 =	smov.u32 s13;
	[sflag:s14] =	ssyncset.done $0x0;
	s29 =	rddreg [dreg:$0x14]  }
0x39: {  	s7 =	smov.u32 @p0 s12;
	[sflag:s14] =	ssyncadd.s32 $0xFFFFFCF0;
	s30 =	sshrl.u32 s29, $0x3  }
0x3a: {  	[spmem:s30], [sflag:s11] =	dma.local [hbm:s7], $0x310  }
0x3b: {  	s12 =	smov.u32 s13;
	_ =	swait.ge [sflag:s14], $0x310  }
0x3c: {  	s12 =	smov.u32 @p0 s18;
	[sflag:s14] =	ssyncset.done $0x0;
	s18 =	rddreg [dreg:$0x15]  }
0x3d: {  	[sflag:s14] =	ssyncadd.s32 $0xFFFFFCF0;
	s7 =	sshrl.u32 s18, $0x3  }
0x3e: {  	[spmem:s7], [sflag:s11] =	dma.local [hbm:s12], $0x310  }
0x3f: {  	_ =	swait.ge [sflag:s14], $0x310  }
0x40: {  	s12 =	smov.u32 s13;
	[sflag:s14] =	ssyncset.done $0x0;
	s29 =	rddreg [dreg:$0x16]  }
0x41: {  	s12 =	smov.u32 @p0 s19;
	[sflag:s14] =	ssyncadd.s32 $0xFFFFFCF0;
	s31 =	sshrl.u32 s29, $0x3  }
0x42: {  	[spmem:s31], [sflag:s11] =	dma.local [hbm:s12], $0x310  }
0x43: {  	_ =	swait.ge [sflag:s14], $0x310  }
0x44: {  	[sflag:s14] =	ssyncset.done $0x0  }
0x45: {  	[sflag:s14] =	ssyncadd.s32 $0xFFFFFCF0  }
0x46: {  	_ =	swait.ge [sflag:s15], $0x310  }
0x47: {  	[sflag:s15] =	ssyncset.done $0x0  }
0x48: {  	[sflag:s15] =	ssyncadd.s32 $0xFFFFFCF0  }
0x49: {  	_ =	swait.ge [sflag:s15], $0x310  }
0x4a: {  	[sflag:s15] =	ssyncset.done $0x0  }
0x4b: {  	[sflag:s15] =	ssyncadd.s32 $0xFFFFFCF0  }
0x4c: {  	_ =	swait.ge [sflag:s15], $0x310  }
0x4d: {  	[sflag:s15] =	ssyncset.done $0x0  }
0x4e: {  	[sflag:s15] =	ssyncadd.s32 $0xFFFFFCF0  }
0x4f: {  	_ =	swait.ge [sflag:s15], $0x310  }
0x50: {  	[sflag:s15] =	ssyncset.done $0x0  }
0x51: {  	[sflag:s15] =	ssyncadd.s32 $0xFFFFFCF0  }
0x52: {  	s19 =	sadd.s32 $0x0, s26;
	[bflag:$0x0] =	sbarrier.arrive $0xFFFF  }
0x53: {  	[tilespmem:s10], [sflag:$0x1] =	stream.linear.gather [hbm4b:s19+s10], $0x2710, $0x38;
	[tilespmem:$0x1B100] =	vst v63  }
0x54: {  	s29 =	sadd.s32 $0x0, s25  }
0x55: {  	[tilespmem:s16], [sflag:$0x1] =	stream.linear.gather [hbm4b:s29+s10], $0x2710, $0x38;
	[tilespmem:$0x1B100] =	vst v63  }
0x56: {  	_ =	swait.ge [sflag:s17], $0x2710  }
0x57: {  	[sflag:s17] =	ssyncset.done $0x0  }
0x58: {  	[sflag:s17] =	ssyncadd.s32 $0xFFFFD8F0  }
0x59: {  	_ =	swait.ge [sflag:s17], $0x2710  }
0x5a: {  	[sflag:s17] =	ssyncset.done $0x0  }
0x5b: {  	[sflag:s17] =	ssyncadd.s32 $0xFFFFD8F0  }
0x5c: {  	[tilespmem:s21], [sflag:$0x2] =	stream.indirect.gather [spmem:s0], $0x1, s10, s20, $0xb8;
	[tilespmem:$0x1B100] =	vst v63  }
0x5d: {  	_ = 	snop  }
0x5e: {  	[tilespmem:s22], [sflag:$0x2] =	stream.indirect.gather [spmem:s1], $0x1, s10, s20, $0xb8;
	[tilespmem:$0x1B100] =	vst v63  }
0x5f: {  	_ = 	snop  }
0x60: {  	[tilespmem:s23], [sflag:$0x2] =	stream.indirect.gather [spmem:s2], $0x1, s10, s20, $0xb8;
	[tilespmem:$0x1B100] =	vst v63  }
0x61: {  	_ = 	snop  }
0x62: {  	[tilespmem:s24], [sflag:$0x2] =	stream.indirect.gather [spmem:s3], $0x1, s10, s20, $0xb8;
	[tilespmem:$0x1B100] =	vst v63  }
0x63: {  	_ =	swait.ge [sflag:s15], $0x2710  }
0x64: {  	[sflag:s15] =	ssyncset.done $0x0  }
0x65: {  	[sflag:s15] =	ssyncadd.s32 $0xFFFFD8F0  }
0x66: {  	_ =	swait.ge [sflag:s15], $0x2710  }
0x67: {  	[sflag:s15] =	ssyncset.done $0x0  }
0x68: {  	[sflag:s15] =	ssyncadd.s32 $0xFFFFD8F0  }
0x69: {  	_ =	swait.ge [sflag:s15], $0x2710  }
0x6a: {  	[sflag:s15] =	ssyncset.done $0x0  }
0x6b: {  	[sflag:s15] =	ssyncadd.s32 $0xFFFFD8F0  }
0x6c: {  	_ =	swait.ge [sflag:s15], $0x2710  }
0x6d: {  	[sflag:s15] =	ssyncset.done $0x0  }
0x6e: {  	[sflag:s15] =	ssyncadd.s32 $0xFFFFD8F0  }
0x6f: {  	[spmem:s4] =	stream.indirect.scatter.add.f32 [tilespmem:s21], [sflag:$0x3], $0x1, s16, s20, $0xb8;
	[tilespmem:$0x1B100] =	vst v63  }
0x70: {  	_ = 	snop  }
0x71: {  	[spmem:s6] =	stream.indirect.scatter.add.f32 [tilespmem:s22], [sflag:$0x3], $0x1, s16, s20, $0xb8;
	[tilespmem:$0x1B100] =	vst v63  }
0x72: {  	_ = 	snop  }
0x73: {  	[spmem:s8] =	stream.indirect.scatter.add.f32 [tilespmem:s23], [sflag:$0x3], $0x1, s16, s20, $0xb8;
	[tilespmem:$0x1B100] =	vst v63  }
0x74: {  	_ = 	snop  }
0x75: {  	[spmem:s9] =	stream.indirect.scatter.add.f32 [tilespmem:s24], [sflag:$0x3], $0x1, s16, s20, $0xb8;
	[tilespmem:$0x1B100] =	vst v63  }
0x76: {  	_ =	swait.ge [sflag:s14], $0x2710  }
0x77: {  	[sflag:s14] =	ssyncset.done $0x0  }
0x78: {  	[sflag:s14] =	ssyncadd.s32 $0xFFFFD8F0  }
0x79: {  	_ =	swait.ge [sflag:s14], $0x2710  }
0x7a: {  	[sflag:s14] =	ssyncset.done $0x0  }
0x7b: {  	[sflag:s14] =	ssyncadd.s32 $0xFFFFD8F0  }
0x7c: {  	_ =	swait.ge [sflag:s14], $0x2710  }
0x7d: {  	[sflag:s14] =	ssyncset.done $0x0  }
0x7e: {  	[sflag:s14] =	ssyncadd.s32 $0xFFFFD8F0  }
0x7f: {  	_ =	swait.ge [sflag:s14], $0x2710  }
0x80: {  	s11 =	simm.s32 $0x4E2;
	s12 =	simm.s32 $0x9C4;
	[sflag:s14] =	ssyncset.done $0x0  }
.LBB2_2:
0x81: {  	s19 =	sadd.s32 s11, s26  }
0x82: {  	[sflag:s14] =	ssyncadd.s32 $0xFFFFD8F0;
	s29 =	smov.u32 s12;
	s18 =	sadd.s32 $0x4E2, s12  }
0x83: {  	[tilespmem:s10], [sflag:$0x1] =	stream.linear.gather [hbm4b:s19+s10], $0x2710, $0x38;
	[tilespmem:$0x1B100] =	vst v63  }
0x84: {  	p1 =	sne.s32 s12, $0x1388;
	s12 =	sadd.s32 s11, s25;
	s11 =	smov.u32 s29  }
0x85: {  	[tilespmem:s16], [sflag:$0x1] =	stream.linear.gather [hbm4b:s12+s10], $0x2710, $0x38;
	[tilespmem:$0x1B100] =	vst v63  }
0x86: {  	_ =	swait.ge [sflag:s17], $0x2710  }
0x87: {  	[sflag:s17] =	ssyncset.done $0x0  }
0x88: {  	[sflag:s17] =	ssyncadd.s32 $0xFFFFD8F0  }
0x89: {  	_ =	swait.ge [sflag:s17], $0x2710  }
0x8a: {  	[sflag:s17] =	ssyncset.done $0x0  }
0x8b: {  	[sflag:s17] =	ssyncadd.s32 $0xFFFFD8F0  }
0x8c: {  	[tilespmem:s21], [sflag:$0x2] =	stream.indirect.gather [spmem:s0], $0x1, s10, s20, $0xb8;
	[tilespmem:$0x1B100] =	vst v63  }
0x8d: {  	_ = 	snop  }
0x8e: {  	[tilespmem:s22], [sflag:$0x2] =	stream.indirect.gather [spmem:s1], $0x1, s10, s20, $0xb8;
	[tilespmem:$0x1B100] =	vst v63  }
0x8f: {  	_ = 	snop  }
0x90: {  	[tilespmem:s23], [sflag:$0x2] =	stream.indirect.gather [spmem:s2], $0x1, s10, s20, $0xb8;
	[tilespmem:$0x1B100] =	vst v63  }
0x91: {  	_ = 	snop  }
0x92: {  	[tilespmem:s24], [sflag:$0x2] =	stream.indirect.gather [spmem:s3], $0x1, s10, s20, $0xb8;
	[tilespmem:$0x1B100] =	vst v63  }
0x93: {  	_ =	swait.ge [sflag:s15], $0x2710  }
0x94: {  	[sflag:s15] =	ssyncset.done $0x0  }
0x95: {  	[sflag:s15] =	ssyncadd.s32 $0xFFFFD8F0  }
0x96: {  	_ =	swait.ge [sflag:s15], $0x2710  }
0x97: {  	[sflag:s15] =	ssyncset.done $0x0  }
0x98: {  	[sflag:s15] =	ssyncadd.s32 $0xFFFFD8F0  }
0x99: {  	_ =	swait.ge [sflag:s15], $0x2710  }
0x9a: {  	[sflag:s15] =	ssyncset.done $0x0  }
0x9b: {  	[sflag:s15] =	ssyncadd.s32 $0xFFFFD8F0  }
0x9c: {  	_ =	swait.ge [sflag:s15], $0x2710  }
0x9d: {  	[sflag:s15] =	ssyncset.done $0x0  }
0x9e: {  	[sflag:s15] =	ssyncadd.s32 $0xFFFFD8F0  }
0x9f: {  	[spmem:s4] =	stream.indirect.scatter.add.f32 [tilespmem:s21], [sflag:$0x3], $0x1, s16, s20, $0xb8;
	[tilespmem:$0x1B100] =	vst v63  }
0xa0: {  	_ = 	snop  }
0xa1: {  	[spmem:s6] =	stream.indirect.scatter.add.f32 [tilespmem:s22], [sflag:$0x3], $0x1, s16, s20, $0xb8;
	[tilespmem:$0x1B100] =	vst v63  }
0xa2: {  	_ = 	snop  }
0xa3: {  	[spmem:s8] =	stream.indirect.scatter.add.f32 [tilespmem:s23], [sflag:$0x3], $0x1, s16, s20, $0xb8;
	[tilespmem:$0x1B100] =	vst v63  }
0xa4: {  	_ = 	snop  }
0xa5: {  	[spmem:s9] =	stream.indirect.scatter.add.f32 [tilespmem:s24], [sflag:$0x3], $0x1, s16, s20, $0xb8;
	[tilespmem:$0x1B100] =	vst v63  }
0xa6: {  	_ =	swait.ge [sflag:s14], $0x2710  }
0xa7: {  	[sflag:s14] =	ssyncset.done $0x0  }
0xa8: {  	[sflag:s14] =	ssyncadd.s32 $0xFFFFD8F0  }
0xa9: {  	_ =	swait.ge [sflag:s14], $0x2710  }
0xaa: {  	[sflag:s14] =	ssyncset.done $0x0  }
0xab: {  	[sflag:s14] =	ssyncadd.s32 $0xFFFFD8F0  }
.Ltmp0:
0xac: {  	_ =	swait.ge [sflag:s14], $0x2710;
	(pc) =	sbr.rel @p1 .LBB2_2-.Ltmp0, $4  }
0xad: {  	[sflag:s14] =	ssyncset.done $0x0  }
0xae: {  	[sflag:s14] =	ssyncadd.s32 $0xFFFFD8F0  }
0xaf: {  	_ =	swait.ge [sflag:s14], $0x2710  }
0xb0: {  	s12 =	smov.u32 s18;
	[sflag:s14] =	ssyncset.done $0x0  }
0xb1: {  	s12 =	sadd.s32 s11, s26;
	[sflag:s14] =	ssyncadd.s32 $0xFFFFD8F0  }
0xb2: {  	[tilespmem:s10], [sflag:$0x1] =	stream.linear.gather [hbm4b:s12+s10], $0x2710, $0x38;
	[tilespmem:$0x1B100] =	vst v63  }
0xb3: {  	s29 =	sadd.s32 s11, s25  }
0xb4: {  	[tilespmem:s16], [sflag:$0x1] =	stream.linear.gather [hbm4b:s29+s10], $0x2710, $0x38;
	[tilespmem:$0x1B100] =	vst v63  }
0xb5: {  	_ =	swait.ge [sflag:s17], $0x2710  }
0xb6: {  	[sflag:s17] =	ssyncset.done $0x0  }
0xb7: {  	[sflag:s17] =	ssyncadd.s32 $0xFFFFD8F0  }
0xb8: {  	_ =	swait.ge [sflag:s17], $0x2710  }
0xb9: {  	[sflag:s17] =	ssyncset.done $0x0  }
0xba: {  	[sflag:s17] =	ssyncadd.s32 $0xFFFFD8F0  }
0xbb: {  	[tilespmem:s21], [sflag:$0x2] =	stream.indirect.gather [spmem:s0], $0x1, s10, s20, $0xb8;
	[tilespmem:$0x1B100] =	vst v63  }
0xbc: {  	_ = 	snop  }
0xbd: {  	[tilespmem:s22], [sflag:$0x2] =	stream.indirect.gather [spmem:s1], $0x1, s10, s20, $0xb8;
	[tilespmem:$0x1B100] =	vst v63  }
0xbe: {  	_ = 	snop  }
0xbf: {  	[tilespmem:s23], [sflag:$0x2] =	stream.indirect.gather [spmem:s2], $0x1, s10, s20, $0xb8;
	[tilespmem:$0x1B100] =	vst v63  }
0xc0: {  	_ = 	snop  }
0xc1: {  	[tilespmem:s24], [sflag:$0x2] =	stream.indirect.gather [spmem:s3], $0x1, s10, s20, $0xb8;
	[tilespmem:$0x1B100] =	vst v63  }
0xc2: {  	_ =	swait.ge [sflag:s15], $0x2710  }
0xc3: {  	[sflag:s15] =	ssyncset.done $0x0  }
0xc4: {  	[sflag:s15] =	ssyncadd.s32 $0xFFFFD8F0  }
0xc5: {  	_ =	swait.ge [sflag:s15], $0x2710  }
0xc6: {  	[sflag:s15] =	ssyncset.done $0x0  }
0xc7: {  	[sflag:s15] =	ssyncadd.s32 $0xFFFFD8F0  }
0xc8: {  	_ =	swait.ge [sflag:s15], $0x2710  }
0xc9: {  	[sflag:s15] =	ssyncset.done $0x0  }
0xca: {  	[sflag:s15] =	ssyncadd.s32 $0xFFFFD8F0  }
0xcb: {  	_ =	swait.ge [sflag:s15], $0x2710  }
0xcc: {  	[sflag:s15] =	ssyncset.done $0x0  }
0xcd: {  	[sflag:s15] =	ssyncadd.s32 $0xFFFFD8F0  }
0xce: {  	[spmem:s4] =	stream.indirect.scatter.add.f32 [tilespmem:s21], [sflag:$0x3], $0x1, s16, s20, $0xb8;
	[tilespmem:$0x1B100] =	vst v63  }
0xcf: {  	_ = 	snop  }
0xd0: {  	[spmem:s6] =	stream.indirect.scatter.add.f32 [tilespmem:s22], [sflag:$0x3], $0x1, s16, s20, $0xb8;
	[tilespmem:$0x1B100] =	vst v63  }
0xd1: {  	_ = 	snop  }
0xd2: {  	[spmem:s8] =	stream.indirect.scatter.add.f32 [tilespmem:s23], [sflag:$0x3], $0x1, s16, s20, $0xb8;
	[tilespmem:$0x1B100] =	vst v63  }
0xd3: {  	_ = 	snop  }
0xd4: {  	[spmem:s9] =	stream.indirect.scatter.add.f32 [tilespmem:s24], [sflag:$0x3], $0x1, s16, s20, $0xb8;
	[tilespmem:$0x1B100] =	vst v63  }
0xd5: {  	_ =	swait.ge [sflag:s14], $0x2710  }
0xd6: {  	[sflag:s14] =	ssyncset.done $0x0  }
0xd7: {  	[sflag:s14] =	ssyncadd.s32 $0xFFFFD8F0  }
0xd8: {  	_ =	swait.ge [sflag:s14], $0x2710  }
0xd9: {  	[sflag:s14] =	ssyncset.done $0x0  }
0xda: {  	[sflag:s14] =	ssyncadd.s32 $0xFFFFD8F0  }
0xdb: {  	_ =	swait.ge [sflag:s14], $0x2710  }
0xdc: {  	[sflag:s14] =	ssyncset.done $0x0  }
0xdd: {  	[sflag:s14] =	ssyncadd.s32 $0xFFFFD8F0  }
0xde: {  	_ =	swait.ge [sflag:s14], $0x2710  }
0xdf: {  	[sflag:s14] =	ssyncset.done $0x0  }
0xe0: {  	[sflag:s14] =	ssyncadd.s32 $0xFFFFD8F0  }
0xe1: {  	[bflag:$0x0] =	sbarrier.arrive $0xFFFF  }
0xe2: {  	s12 =	rddreg [dreg:$0xd]  }
0xe3: {  	s18 =	rddreg [dreg:$0x1d]  }
0xe4: {  	[hbm:s12], [sflag:s5] =	dma.local [spmem:s18], $0x310  }
0xe5: {  	_ =	swait.ge [sflag:s15], $0x310  }
0xe6: {  	[sflag:s15] =	ssyncset.done $0x0  }
0xe7: {  	s19 =	rddreg [dreg:$0xe];
	[sflag:s15] =	ssyncadd.s32 $0xFFFFFCF0  }
0xe8: {  	[hbm:s19], [sflag:s5] =	dma.local [spmem:s30], $0x310  }
0xe9: {  	_ =	swait.ge [sflag:s15], $0x310  }
0xea: {  	[sflag:s15] =	ssyncset.done $0x0  }
0xeb: {  	s29 =	rddreg [dreg:$0xf];
	[sflag:s15] =	ssyncadd.s32 $0xFFFFFCF0  }
0xec: {  	[hbm:s29], [sflag:s5] =	dma.local [spmem:s7], $0x310  }
0xed: {  	_ =	swait.ge [sflag:s15], $0x310  }
0xee: {  	[sflag:s15] =	ssyncset.done $0x0  }
0xef: {  	s30 =	rddreg [dreg:$0x10];
	[sflag:s15] =	ssyncadd.s32 $0xFFFFFCF0  }
0xf0: {  	[hbm:s30], [sflag:s5] =	dma.local [spmem:s31], $0x310  }
0xf1: {  	_ =	swait.ge [sflag:s15], $0x310  }
0xf2: {  	s28 =	sadd.s32 $0x1, s28;
	s31 =	rddreg [dreg:$0x17]  }
0xf3: {  	p1 =	sne.s32 s28, s31  }
.Ltmp1:
0xf4: {  	_ = 	snop;
	(pc) =	sbr.rel @p1 .LBB2_1-.Ltmp1, $3  }
0xf5: {  	_ =	sdelay $0x1  }
0xf6: {  	[sflag:s15] =	ssyncset.done $0x0  }
0xf7: {  	[sflag:s15] =	ssyncadd.s32 $0xFFFFFCF0  }
0xf8: {  	_ =	sfence.sel $0x180000  }
0xf9: {  	[bflag:$0x0] =	sbarrier.arrive $0xFFFF  }
0xfa: {  	_ =	strace $0x9000004A  }
0xfb: {  	s0 =	stileid.u32;
	[bflag:$0x2] =	sbarrier.arrive $0xFFFF  }
0xfc: {  	p0 =	sne.s32 s0, $0x0;
	s0 =	rddreg [dreg:$0xa]  }
0xfd: {  	s0 =	sadd.s32 @!p0 $0x100000, s0  }
0xfe: {  	[sflag:s0] =	ssyncadd.tile.s32 @!p0 $0x1;
	_ =	shalt  }
.Lfunc_end2:
_tile_overlayer_lowered:
.L_overlay_start_2:
0xff: {  	(tag) =	ssettag $0x2  }
0x100: {  	s0 =	rddreg [dreg:$0x0];
	s2 =	stileid.u32  }
0x101: {  	s1 =	rddreg [dreg:$0x1];
	p0 =	sne.s32 s2, $0x0  }
0x102: {  	s3 =	rddreg [dreg:$0x2];
	[bflag:$0x3] =	sbarrier.arrive $0xFFFF;
	s2 =	simm.s32 @!p0 $0x1C04  }
0x103: {  	[timem:s3], [sflag:s2] =	dma.local @!p0 [hbm:s0], s1  }
0x104: {  	s0 =	simm.s32 @!p0 $0x4  }
0x105: {  	_ =	swait.ge @!p0 [sflag:s0], s1  }
0x106: {  	s1 =	ssub.s32 @!p0 $0x0, s1;
	[sflag:s0] =	ssyncset.done @!p0 $0x0  }
0x107: {  	[sflag:s0] =	ssyncadd.s32 @!p0 s1  }
0x108: {  	[bflag:$0x3] =	sbarrier.arrive $0xFFFF  }
0x109: {  	_ =	shalt  }

// kernel: kernel.15.cloned.1.call-start
scs
__scs_entry_jumppad:
0x0: {  	(pc) =	sbr.rel $0x88, $3  }
0x1: {  	(tag) =	ssettag $0x0;
	lr =	simm.s32 $0x1  }
0x2: {  	[smem:$0x3F9B] =	sst lr;
	_ =	strace $0xD0000000  }
0x3: {  	_ = 	snop  }
0x4: {  	_ = 	snop  }
0x5: {  	_ = 	snop  }
0x6: {  	_ = 	snop  }
0x7: {  	_ = 	snop  }
__scs_overlays_trampoline_lowered:
0x8: {  	[smem:$0x3FAA] =	sst s0  }
0x9: {  	[smem:$0x3FAB] =	sst s1  }
0xa: {  	[smem:$0x3FAC] =	sst s2  }
0xb: {  	[smem:$0x3FAD] =	sst s3  }
0xc: {  	[smem:$0x3FAE] =	sst s4  }
0xd: {  	[smem:$0x3FAF] =	sst s5  }
0xe: {  	[smem:$0x3FB0] =	sst s6  }
0xf: {  	[smem:$0x3FB1] =	sst s7  }
0x10: {  	[smem:$0x3FB2] =	sst s8  }
0x11: {  	[smem:$0x3FB3] =	sst s9;
	s0 =	simm.s32 @!p0 $0x0  }
0x12: {  	s1 =	sld [smem:$0x3F99];
	s0 =	simm.s32 @p0 $0x1  }
0x13: {  	[smem:$0x3FB4] =	sst s0;
	s0 =	simm.s32 @!p1 $0x0  }
0x14: {  	s2 =	sld [smem:$0x3F98];
	s0 =	simm.s32 @p1 $0x1  }
0x15: {  	[smem:$0x3FB5] =	sst s0;
	s0 =	simm.s32 @!p2 $0x0  }
0x16: {  	s3 =	sld [smem:$0x3FDB];
	s0 =	simm.s32 @p2 $0x1  }
0x17: {  	s4 =	simm.s32 $0x1BF5;
	[smem:$0x3FB7] =	sst s0  }
0x18: {  	s0 =	sld [smem:$0x3F9A];
	_ =	swait.ge [sflag:s4], $0x0  }
0x19: {  	s7 =	sld [smem:$0x3F9B]  }
0x1a: {  	s8 =	sadd.s32 $0xFFFFE003, lr  }
0x1b: {  	s9 =	sadd.s32 $0xFFFFFEF7, lr;
	s5 =	simm.s32 $0xFFFFFFFF;
	p2 =	slt.u32 s8, $0xFFFFF086  }
0x1c: {  	p1 =	slt.u32 s9, $0xF7A;
	s5 =	simm.s32 @!p2 $0x0  }
0x1d: {  	s5 =	simm.s32 @p1 $0x1;
	p0 =	seq.s32 s7, s2  }
0x1e: {  	s7 =	smul.u32 @!p0 $0xF7A, s2;
	p2 =	seq.s32 @!p0 s5, $0x0  }
0x1f: {  	s9 =	smul.u32 $0xF7A, s1;
	s8 =	simm.s32 @!p0 $0x1BF5;
	p2 =	por !p2, p0  }
0x20: {  	[sflag:s8] =	ssyncset.s32 @!p0 $0xFFFFF086;
	s6 =	sadd.s32 @!p0 s3, s7;
	s7 =	simm.s32 @!p0 $0x108  }
0x21: {  	s3 =	sadd.s32 s3, s9;
	s6 =	sadd.s32 @!p0 $0x88, s6;
	s7 =	simm.s32 @p2 $0x1082  }
0x22: {  	[simem:s7], [sflag:s8] =	dma.local @!p0 [hbm:s6], $0xF7A  }
0x23: {  	s9 =	sor.u32 $0xD0000000, s2;
	s6 =	simm.s32 $0x108;
	_ =	swait.ge @!p0 [sflag:s8], $0x0  }
0x24: {  	s3 =	sadd.s32 $0x88, s3;
	s6 =	simm.s32 @!p1 $0x1082;
	[sflag:s4] =	ssyncset.s32 $0xFFFFF086  }
0x25: {  	[simem:s6], [sflag:s4] =	dma.local [hbm:s3], $0xF7A  }
0x26: {  	[smem:$0x3F9B] =	sst s1;
	(tag) =	ssettag s2;
	_ =	strace s9  }
0x27: {  	s1 =	sld [smem:$0x3FAB]  }
0x28: {  	s2 =	sld [smem:$0x3FAC]  }
0x29: {  	s4 =	sld [smem:$0x3FAE]  }
0x2a: {  	p0 =	seq.s32 s5, $0x0;
	s5 =	sld [smem:$0x3FAF]  }
0x2b: {  	s6 =	sld [smem:$0x3FB0]  }
0x2c: {  	s7 =	sld [smem:$0x3FB1]  }
0x2d: {  	s3 =	simm.s32 $0x108;
	s8 =	sld [smem:$0x3FB2]  }
0x2e: {  	s3 =	simm.s32 @!p0 $0x1082;
	s9 =	sld [smem:$0x3FB3]  }
0x2f: {  	lr =	sadd.s32 s0, s3;
	s0 =	sld [smem:$0x3FAA]  }
0x30: {  	s3 =	sld [smem:$0x3FAD]  }
0x31: {  	[smem:$0x3FB6] =	sst s10  }
0x32: {  	s10 =	sld [smem:$0x3FB4];
	_ =	sdelay $0x3  }
0x33: {  	p0 =	seq.s32 s10, $0x1;
	s10 =	sld [smem:$0x3FB6];
	_ =	sdelay $0x3  }
0x34: {  	[smem:$0x3FB6] =	sst s10  }
0x35: {  	s10 =	sld [smem:$0x3FB5];
	_ =	sdelay $0x3  }
0x36: {  	p1 =	seq.s32 s10, $0x1;
	s10 =	sld [smem:$0x3FB6];
	_ =	sdelay $0x3  }
0x37: {  	[smem:$0x3FB6] =	sst s10  }
0x38: {  	s10 =	sld [smem:$0x3FB7]  }
0x39: {  	_ = 	snop;
	(pc) =	sbr.ind lr, $3  }
0x3a: {  	_ = 	snop  }
0x3b: {  	_ = 	snop  }
0x3c: {  	p2 =	seq.s32 s10, $0x1;
	s10 =	sld [smem:$0x3FB6]  }
0x3d: {  	_ =	shalt  }
0x3e: {  	_ =	shalt  }
0x3f: {  	_ =	shalt  }
0x40: {  	_ =	shalt  }
0x41: {  	_ =	shalt  }
0x42: {  	_ =	shalt  }
0x43: {  	_ =	shalt  }
0x44: {  	_ =	shalt  }
0x45: {  	_ =	shalt  }
0x46: {  	_ =	shalt  }
0x47: {  	_ =	shalt  }
0x48: {  	_ =	shalt  }
0x49: {  	_ =	shalt  }
0x4a: {  	_ =	shalt  }
0x4b: {  	_ =	shalt  }
0x4c: {  	_ =	shalt  }
0x4d: {  	_ =	shalt  }
0x4e: {  	_ =	shalt  }
0x4f: {  	_ =	shalt  }
0x50: {  	_ =	shalt  }
0x51: {  	_ =	shalt  }
0x52: {  	_ =	shalt  }
0x53: {  	_ =	shalt  }
0x54: {  	_ =	shalt  }
0x55: {  	_ =	shalt  }
0x56: {  	_ =	shalt  }
0x57: {  	_ =	shalt  }
0x58: {  	_ =	shalt  }
0x59: {  	_ =	shalt  }
0x5a: {  	_ =	shalt  }
0x5b: {  	_ =	shalt  }
0x5c: {  	_ =	shalt  }
0x5d: {  	_ =	shalt  }
0x5e: {  	_ =	shalt  }
0x5f: {  	_ =	shalt  }
0x60: {  	_ =	shalt  }
0x61: {  	_ =	shalt  }
0x62: {  	_ =	shalt  }
0x63: {  	_ =	shalt  }
0x64: {  	_ =	shalt  }
0x65: {  	_ =	shalt  }
0x66: {  	_ =	shalt  }
0x67: {  	_ =	shalt  }
0x68: {  	_ =	shalt  }
0x69: {  	_ =	shalt  }
0x6a: {  	_ =	shalt  }
0x6b: {  	_ =	shalt  }
0x6c: {  	_ =	shalt  }
0x6d: {  	_ =	shalt  }
0x6e: {  	_ =	shalt  }
0x6f: {  	_ =	shalt  }
0x70: {  	_ =	shalt  }
0x71: {  	_ =	shalt  }
0x72: {  	_ =	shalt  }
0x73: {  	_ =	shalt  }
0x74: {  	_ =	shalt  }
0x75: {  	_ =	shalt  }
0x76: {  	_ =	shalt  }
0x77: {  	_ =	shalt  }
0x78: {  	_ =	shalt  }
0x79: {  	_ =	shalt  }
0x7a: {  	_ =	shalt  }
0x7b: {  	_ =	shalt  }
0x7c: {  	_ =	shalt  }
0x7d: {  	_ =	shalt  }
0x7e: {  	_ =	shalt  }
0x7f: {  	_ =	shalt  }
0x80: {  	_ =	shalt  }
0x81: {  	_ =	shalt  }
0x82: {  	_ =	shalt  }
0x83: {  	_ =	shalt  }
0x84: {  	_ =	shalt  }
0x85: {  	_ =	shalt  }
0x86: {  	_ =	shalt  }
0x87: {  	_ =	shalt  }
.Lfunc_end0:
.L_simem_size_0:
called_computation.2_lowered:
.L_overlay_start_0:
0x88: {  	s2 =	sld [smem:$0x3FD9]  }
0x89: {  	s3 =	sld [smem:$0x3FFE];
	_ =	sdelay $0x1  }
0x8a: {  	s1 =	srdreg.scid  }
0x8b: {  	s0 =	sand.u32 $0x1, s1  }
0x8c: {  	s17 =	sshll.u32 s0, $0xA;
	s2 =	sadd.s32 s3, s2  }
0x8d: {  	s2 =	sadd.s32 s2, s17  }
0x8e: {  	[smem:$0x3FC2] =	sst s2  }
0x8f: {  	_ = 	snop  }
0x90: {  	s2 =	sld [smem:$0x3FD0];
	(tm) =	ssettm $0x1  }
0x91: {  	s18 =	sld [smem:$0x3FFB];
	_ =	sdelay $0x3  }
0x92: {  	_ =	strace s18  }
0x93: {  	s3 =	sld [smem:$0x3FFC];
	_ =	sdelay $0x3  }
0x94: {  	_ =	strace s3  }
0x95: {  	s3 =	sld [smem:$0x3FFD];
	_ =	sdelay $0x3  }
0x96: {  	_ =	strace s3  }
0x97: {  	_ =	strace $0x8FFFFFFF  }
0x98: {  	s19 =	sld [smem:$0x3FDB];
	_ =	sdelay $0x1  }
0x99: {  	s4 =	simm.s32 $_scs_section_size  }
0x9a: {  	s5 =	simm.s32 $_size__tile_overlayer_lowered;
	s6 =	simm.s32 $_tile_overlayer_lowered  }
0x9b: {  	s22 =	simm.s32 $0x1BFF;
	s21 =	sshll.u32 s6, $0x1;
	s3 =	sadd.s32 s4, s19  }
0x9c: {  	s7 =	simm.s32 $0x0;
	s20 =	sshll.u32 s5, $0x1;
	s5 =	sadd.s32 s21, s3  }
0x9d: {  	[timem:s7], [sflag:s22] =	dma.local [hbm:s5], s20  }
0x9e: {  	_ =	swait.ge [sflag:s22], s20  }
0x9f: {  	s4 =	ssub.s32 $0x0, s20;
	[sflag:s22] =	ssyncset.done $0x0  }
0xa0: {  	[sflag:s22] =	ssyncadd.s32 s4;
	_ =	sdelay $0x1  }
0xa1: {  	s23 =	simm.s32 $0x1B8B  }
0xa2: {  	_ =	swait.ge [sflag:s23], $0x1  }
0xa3: {  	[sflag:s23] =	ssyncset.done $0x0  }
0xa4: {  	s25 =	simm.s32 $0x1B8E;
	s24 =	sld [smem:$0x3FFE];
	[sflag:s23] =	ssyncadd.s32 $0xFFFFFFFF  }
0xa5: {  	s26 =	simm.s32 $execute0_lowered;
	[smem:$0x3FD2] =	sst s25  }
0xa6: {  	s5 =	sshll.u32 s26, $0x1;
	_ =	strace $0x8000004C;
	[dreg:$0x1] =	wrdreg $0xFFFFFFFF  }
0xa7: {  	s28 =	simm.s32 $_size_execute0_lowered;
	s3 =	sadd.s32 s3, s5;
	[dreg:$0x0] =	wrdreg $0x0  }
0xa8: {  	s5 =	sshll.u32 s28, $0x1;
	[dreg:$0x2] =	wrdreg s3  }
0xa9: {  	[dreg:$0x3] =	wrdreg s5  }
0xaa: {  	[dreg:$0x4] =	wrdreg $0xC0  }
0xab: {  	_ =	task [dreg:s7], $0x5FFFF  }
0xac: {  	[dreg:$0x1] =	wrdreg $0xFFFFFFFF  }
0xad: {  	[dreg:$0x0] =	wrdreg $0x60  }
0xae: {  	[dreg:$0x2] =	wrdreg s24  }
0xaf: {  	[dreg:$0x3] =	wrdreg s2  }
0xb0: {  	[dreg:$0x4] =	wrdreg $0x188000  }
0xb1: {  	[dreg:$0x5] =	wrdreg $0x1A0800  }
0xb2: {  	[dreg:$0x6] =	wrdreg $0x1B9000  }
0xb3: {  	[dreg:$0x7] =	wrdreg $0x1D1800  }
0xb4: {  	[dreg:$0x8] =	wrdreg $0x9  }
0xb5: {  	_ =	task.clear_ibuf [dreg:s7], $0x9FFFF;
	_ =	strace $0x9000004C  }
0xb6: {  	s29 =	simm.s32 $0x9;
	_ =	strace $0x8000004E  }
0xb7: {  	_ =	swait.ge [sflag:s29], $0x1  }
0xb8: {  	[sflag:s29] =	ssyncadd.s32 $0xFFFFFFFF  }
0xb9: {  	_ =	strace $0x9000004E  }
0xba: {  	_ =	sfence  }
0xbb: {  	s30 =	sld [smem:$0x0];
	_ =	sdelay $0x2  }
0xbc: {  	s31 =	sshll.u32 s1, $0xD;
	s1 =	sshrl.u32 s1, $0x2  }
0xbd: {  	s3 =	sand.u32 $0x4000, s31;
	s1 =	sadd.s32 s1, s30  }
0xbe: {  	s0 =	sor.u32 s3, s0;
	s1 =	sshll.u32 s1, $0x11  }
0xbf: {  	s0 =	sor.u32 s1, s0  }
0xc0: {  	s0 =	sadd.s32 $0x8F2B, s0  }
0xc1: {  	[sflag:s0] =	ssyncadd.remote.s32 $0x1  }
0xc2: {  	_ =	sfence.sel $0xFFFF  }
0xc3: {  	[dreg:$0x0] =	wrdreg $0xFFFFFFFF;
	(pc) =	sbr.abs _section_cstart, $3  }
0xc4: {  	[dreg:$0x1] =	wrdreg $0xFFFFFFFF  }
0xc5: {  	_ =	task.clear_ibuf [dreg:s7], $0x2FFFF;
	_ =	strace $0x9FFFFFFF  }
0xc6: {  	(tm) =	ssettm $0x7FFFFFFF  }
0xc7: {  	_ =	shalt  }
tec
execute0_lowered:
.L_overlay_start_1:
0x0: {  	(tag) =	ssettag $0x1  }
0x1: {  	s29 =	rddreg [dreg:$0x0]  }
0x2: {  	s10 =	rddreg [dreg:$0x1]  }
0x3: {  	s2 =	rddreg [dreg:$0x2]  }
0x4: {  	s3 =	rddreg [dreg:$0x3]  }
0x5: {  	s4 =	rddreg [dreg:$0x4]  }
0x6: {  	s5 =	rddreg [dreg:$0x5]  }
0x7: {  	s1 =	stileid.u32;
	s7 =	srdreg.scid  }
0x8: {  	s6 =	simm.s32 $0x0;
	s15 =	simm.s32 $0x3;
	s17 =	smul.u32 $0x1880, s1  }
0x9: {  	s28 =	sand.u32 $0x1, s7;
	[smem:$0x7FF] =	sst s6;
	s25 =	sadd.s32 $0x5800, s29  }
0xa: {  	s16 =	sshll.u32 s1, $0x6;
	s7 =	sshll.u32 s28, $0x4;
	_ =	strace $0x8000004D  }
0xb: {  	s8 =	sor.u32 $0x1C02, s16;
	p0 =	seq.s32 s28, $0x0;
	s7 =	sor.u32 s1, s7  }
0xc: {  	s16 =	sor.u32 $0x1C03, s16;
	s30 =	sshrl.u32 s17, $0x3;
	s26 =	smul.u32 $0xC350, s7  }
0xd: {  	s11 =	sadd.s32 s17, s2;
	s12 =	sadd.s32 s17, s3;
	s13 =	sadd.s32 s17, s4  }
0xe: {  	s9 =	sadd.s32 s30, s29;
	s10 =	sadd.s32 s10, s30;
	s19 =	sshrl.u32 s26, $0x3  }
0xf: {  	s11 =	sshrl.u32 s11, $0x3;
	s12 =	sshrl.u32 s12, $0x3;
	s14 =	sadd.s32 s25, s19  }
0x10: {  	s7 =	sadd.s32 $0x67400, s9;
	[dreg:$0x7] =	wrdreg s14;
	s14 =	smov.u32 s10  }
0x11: {  	s13 =	sshrl.u32 s13, $0x3;
	s9 =	sadd.s32 $0x6A600, s9;
	s14 =	smov.u32 @p0 s7  }
0x12: {  	[spmem:s11], [sflag:s8] =	dma.local [hbm:s7], $0x310  }
0x13: {  	[spmem:s12], [sflag:s8] =	dma.local [hbm:s9], $0x310  }
0x14: {  	[spmem:s13], [sflag:s16] =	dma.local [hbm:s14], $0x310  }
0x15: {  	_ =	swait.ge [sflag:s15], $0x310  }
0x16: {  	s17 =	sadd.s32 s17, s5;
	[sflag:s15] =	ssyncset.done $0x0  }
0x17: {  	s17 =	sshrl.u32 s17, $0x3;
	s10 =	smov.u32 @p0 s9;
	[sflag:s15] =	ssyncadd.s32 $0xFFFFFCF0  }
0x18: {  	[spmem:s17], [sflag:s16] =	dma.local [hbm:s10], $0x310  }
0x19: {  	_ =	swait.ge [sflag:s15], $0x310  }
0x1a: {  	[sflag:s15] =	ssyncset.done $0x0  }
0x1b: {  	s18 =	simm.s32 $0x2;
	[sflag:s15] =	ssyncadd.s32 $0xFFFFFCF0  }
0x1c: {  	_ =	swait.ge [sflag:s18], $0x310  }
0x1d: {  	[sflag:s18] =	ssyncset.done $0x0  }
0x1e: {  	[sflag:s18] =	ssyncadd.s32 $0xFFFFFCF0  }
0x1f: {  	_ =	swait.ge [sflag:s18], $0x310  }
0x20: {  	[sflag:s18] =	ssyncset.done $0x0  }
0x21: {  	[sflag:s18] =	ssyncadd.s32 $0xFFFFFCF0  }
0x22: {  	[bflag:$0x0] =	sbarrier.arrive $0xFFFF  }
0x23: {  	s31 =	sadd.s32 $0x36600, s29;
	s20 =	rddreg [dreg:$0x7]  }
0x24: {  	[tilespmem:s6], [sflag:$0x1] =	stream.linear.gather [hbm4b:s20+s6], $0x61A8, $0x38;
	[tilespmem:$0x1EA00] =	vst v63  }
0x25: {  	s21 =	simm.s32 $0x1;
	s19 =	sadd.s32 s31, s19;
	s20 =	simm.s32 $0x6200  }
0x26: {  	[tilespmem:s20], [sflag:$0x1] =	stream.linear.gather [hbm4b:s19+s6], $0x61A8, $0x38;
	[tilespmem:$0x1EA00] =	vst v63  }
0x27: {  	_ =	swait.ge [sflag:s21], $0x61A8  }
0x28: {  	[sflag:s21] =	ssyncset.done $0x0  }
0x29: {  	[sflag:s21] =	ssyncadd.s32 $0xFFFF9E58  }
0x2a: {  	_ =	swait.ge [sflag:s21], $0x61A8  }
0x2b: {  	[sflag:s21] =	ssyncset.done $0x0  }
0x2c: {  	s22 =	simm.s32 $0x61A8;
	s23 =	simm.s32 $0xC400;
	[sflag:s21] =	ssyncadd.s32 $0xFFFF9E58  }
0x2d: {  	[tilespmem:s23], [sflag:$0x2] =	stream.indirect.gather [spmem:s2], $0x1, s6, s22, $0xb8;
	[tilespmem:$0x1EA00] =	vst v63  }
0x2e: {  	s24 =	simm.s32 $0x12600  }
0x2f: {  	[tilespmem:s24], [sflag:$0x2] =	stream.indirect.gather [spmem:s3], $0x1, s6, s22, $0xb8;
	[tilespmem:$0x1EA00] =	vst v63  }
0x30: {  	_ =	swait.ge [sflag:s18], $0x61A8  }
0x31: {  	[sflag:s18] =	ssyncset.done $0x0  }
0x32: {  	[sflag:s18] =	ssyncadd.s32 $0xFFFF9E58  }
0x33: {  	_ =	swait.ge [sflag:s18], $0x61A8  }
0x34: {  	[sflag:s18] =	ssyncset.done $0x0  }
0x35: {  	[sflag:s18] =	ssyncadd.s32 $0xFFFF9E58  }
0x36: {  	[spmem:s4] =	stream.indirect.scatter.add.f32 [tilespmem:s23], [sflag:$0x3], $0x1, s20, s22, $0xb8;
	[tilespmem:$0x1EA00] =	vst v63  }
0x37: {  	_ = 	snop  }
0x38: {  	[spmem:s5] =	stream.indirect.scatter.add.f32 [tilespmem:s24], [sflag:$0x3], $0x1, s20, s22, $0xb8;
	[tilespmem:$0x1EA00] =	vst v63  }
0x39: {  	_ =	swait.ge [sflag:s15], $0x61A8  }
0x3a: {  	[sflag:s15] =	ssyncset.done $0x0  }
0x3b: {  	[sflag:s15] =	ssyncadd.s32 $0xFFFF9E58  }
0x3c: {  	s26 =	sadd.s32 $0x61A8, s26;
	_ =	swait.ge [sflag:s15], $0x61A8  }
0x3d: {  	s26 =	sshrl.u32 s26, $0x3;
	[sflag:s15] =	ssyncset.done $0x0  }
0x3e: {  	s25 =	sadd.s32 s25, s26;
	[sflag:s15] =	ssyncadd.s32 $0xFFFF9E58  }
0x3f: {  	[tilespmem:s6], [sflag:$0x1] =	stream.linear.gather [hbm4b:s25+s6], $0x61A8, $0x38;
	[tilespmem:$0x1EA00] =	vst v63  }
0x40: {  	s26 =	sadd.s32 s31, s26  }
0x41: {  	[tilespmem:s20], [sflag:$0x1] =	stream.linear.gather [hbm4b:s26+s6], $0x61A8, $0x38;
	[tilespmem:$0x1EA00] =	vst v63  }
0x42: {  	_ =	swait.ge [sflag:s21], $0x61A8  }
0x43: {  	[sflag:s21] =	ssyncset.done $0x0  }
0x44: {  	[sflag:s21] =	ssyncadd.s32 $0xFFFF9E58  }
0x45: {  	_ =	swait.ge [sflag:s21], $0x61A8  }
0x46: {  	[sflag:s21] =	ssyncset.done $0x0  }
0x47: {  	[sflag:s21] =	ssyncadd.s32 $0xFFFF9E58  }
0x48: {  	[tilespmem:s23], [sflag:$0x2] =	stream.indirect.gather [spmem:s2], $0x1, s6, s22, $0xb8;
	[tilespmem:$0x1EA00] =	vst v63  }
0x49: {  	_ = 	snop  }
0x4a: {  	[tilespmem:s24], [sflag:$0x2] =	stream.indirect.gather [spmem:s3], $0x1, s6, s22, $0xb8;
	[tilespmem:$0x1EA00] =	vst v63  }
0x4b: {  	_ =	swait.ge [sflag:s18], $0x61A8  }
0x4c: {  	[sflag:s18] =	ssyncset.done $0x0  }
0x4d: {  	[sflag:s18] =	ssyncadd.s32 $0xFFFF9E58  }
0x4e: {  	_ =	swait.ge [sflag:s18], $0x61A8  }
0x4f: {  	[sflag:s18] =	ssyncset.done $0x0  }
0x50: {  	[sflag:s18] =	ssyncadd.s32 $0xFFFF9E58  }
0x51: {  	[spmem:s4] =	stream.indirect.scatter.add.f32 [tilespmem:s23], [sflag:$0x3], $0x1, s20, s22, $0xb8;
	[tilespmem:$0x1EA00] =	vst v63  }
0x52: {  	_ = 	snop  }
0x53: {  	[spmem:s5] =	stream.indirect.scatter.add.f32 [tilespmem:s24], [sflag:$0x3], $0x1, s20, s22, $0xb8;
	[tilespmem:$0x1EA00] =	vst v63  }
0x54: {  	s0 =	sadd.s32 $0x73C00, s29;
	_ =	swait.ge [sflag:s15], $0x61A8  }
0x55: {  	s28 =	ssub.s32 $0x2, s28;
	s31 =	sadd.s32 $0x6D800, s29;
	[sflag:s15] =	ssyncset.done $0x0  }
0x56: {  	s0 =	smov.u32 @p0 s31;
	s31 =	sshrl.u32 s28, $0x1;
	[sflag:s15] =	ssyncadd.s32 $0xFFFF9E58  }
0x57: {  	s31 =	ssub.s32 s28, s31;
	s28 =	sadd.s32 s0, s30;
	_ =	swait.ge [sflag:s15], $0x61A8  }
0x58: {  	s0 =	sadd.s32 $0x70A00, s29;
	s29 =	sadd.s32 $0x76E00, s29;
	[sflag:s15] =	ssyncset.done $0x0  }
0x59: {  	s29 =	smov.u32 @p0 s0;
	s31 =	smax.u32 s31, $0x1;
	[sflag:s15] =	ssyncadd.s32 $0xFFFF9E58  }
0x5a: {  	s29 =	sadd.s32 s29, s30;
	s30 =	sadd.s32 $0xFFFFFFFF, s31;
	[bflag:$0x0] =	sbarrier.arrive $0xFFFF  }
0x5b: {  	[hbm:s28], [sflag:s8] =	dma.local [spmem:s13], $0x310  }
0x5c: {  	p0 =	sne.s32 s30, $0x0;
	_ =	swait.ge [sflag:s18], $0x310  }
.Ltmp0:
0x5d: {  	[sflag:s18] =	ssyncset.done $0x0;
	(pc) =	sbr.rel @!p0 .LBB2_2-.Ltmp0, $4  }
0x5e: {  	[sflag:s18] =	ssyncadd.s32 $0xFFFFFCF0  }
0x5f: {  	[hbm:s29], [sflag:s8] =	dma.local [spmem:s17], $0x310  }
0x60: {  	_ =	swait.ge [sflag:s18], $0x310  }
0x61: {  	[sflag:s18] =	ssyncset.done $0x0  }
.LBB2_1:
0x62: {  	[sflag:s18] =	ssyncadd.s32 $0xFFFFFCF0  }
0x63: {  	[spmem:s11], [sflag:s8] =	dma.local [hbm:s7], $0x310  }
0x64: {  	[spmem:s12], [sflag:s8] =	dma.local [hbm:s9], $0x310  }
0x65: {  	[spmem:s13], [sflag:s16] =	dma.local [hbm:s14], $0x310  }
0x66: {  	_ =	swait.ge [sflag:s15], $0x310  }
0x67: {  	[sflag:s15] =	ssyncset.done $0x0  }
0x68: {  	[sflag:s15] =	ssyncadd.s32 $0xFFFFFCF0  }
0x69: {  	[spmem:s17], [sflag:s16] =	dma.local [hbm:s10], $0x310  }
0x6a: {  	_ =	swait.ge [sflag:s15], $0x310  }
0x6b: {  	[sflag:s15] =	ssyncset.done $0x0  }
0x6c: {  	[sflag:s15] =	ssyncadd.s32 $0xFFFFFCF0  }
0x6d: {  	_ =	swait.ge [sflag:s18], $0x310  }
0x6e: {  	[sflag:s18] =	ssyncset.done $0x0  }
0x6f: {  	[sflag:s18] =	ssyncadd.s32 $0xFFFFFCF0  }
0x70: {  	_ =	swait.ge [sflag:s18], $0x310  }
0x71: {  	[sflag:s18] =	ssyncset.done $0x0  }
0x72: {  	[sflag:s18] =	ssyncadd.s32 $0xFFFFFCF0  }
0x73: {  	[bflag:$0x0] =	sbarrier.arrive $0xFFFF  }
0x74: {  	s0 =	rddreg [dreg:$0x7]  }
0x75: {  	[tilespmem:s6], [sflag:$0x1] =	stream.linear.gather [hbm4b:s0+s6], $0x61A8, $0x38;
	[tilespmem:$0x1EA00] =	vst v63  }
0x76: {  	_ = 	snop  }
0x77: {  	[tilespmem:s20], [sflag:$0x1] =	stream.linear.gather [hbm4b:s19+s6], $0x61A8, $0x38;
	[tilespmem:$0x1EA00] =	vst v63  }
0x78: {  	_ =	swait.ge [sflag:s21], $0x61A8  }
0x79: {  	[sflag:s21] =	ssyncset.done $0x0  }
0x7a: {  	[sflag:s21] =	ssyncadd.s32 $0xFFFF9E58  }
0x7b: {  	_ =	swait.ge [sflag:s21], $0x61A8  }
0x7c: {  	[sflag:s21] =	ssyncset.done $0x0  }
0x7d: {  	[sflag:s21] =	ssyncadd.s32 $0xFFFF9E58  }
0x7e: {  	[tilespmem:s23], [sflag:$0x2] =	stream.indirect.gather [spmem:s2], $0x1, s6, s22, $0xb8;
	[tilespmem:$0x1EA00] =	vst v63  }
0x7f: {  	_ = 	snop  }
0x80: {  	[tilespmem:s24], [sflag:$0x2] =	stream.indirect.gather [spmem:s3], $0x1, s6, s22, $0xb8;
	[tilespmem:$0x1EA00] =	vst v63  }
0x81: {  	_ =	swait.ge [sflag:s18], $0x61A8  }
0x82: {  	[sflag:s18] =	ssyncset.done $0x0  }
0x83: {  	[sflag:s18] =	ssyncadd.s32 $0xFFFF9E58  }
0x84: {  	_ =	swait.ge [sflag:s18], $0x61A8  }
0x85: {  	[sflag:s18] =	ssyncset.done $0x0  }
0x86: {  	[sflag:s18] =	ssyncadd.s32 $0xFFFF9E58  }
0x87: {  	[spmem:s4] =	stream.indirect.scatter.add.f32 [tilespmem:s23], [sflag:$0x3], $0x1, s20, s22, $0xb8;
	[tilespmem:$0x1EA00] =	vst v63  }
0x88: {  	_ = 	snop  }
0x89: {  	[spmem:s5] =	stream.indirect.scatter.add.f32 [tilespmem:s24], [sflag:$0x3], $0x1, s20, s22, $0xb8;
	[tilespmem:$0x1EA00] =	vst v63  }
0x8a: {  	_ =	swait.ge [sflag:s15], $0x61A8  }
0x8b: {  	[sflag:s15] =	ssyncset.done $0x0  }
0x8c: {  	[sflag:s15] =	ssyncadd.s32 $0xFFFF9E58  }
0x8d: {  	_ =	swait.ge [sflag:s15], $0x61A8  }
0x8e: {  	[sflag:s15] =	ssyncset.done $0x0  }
0x8f: {  	[sflag:s15] =	ssyncadd.s32 $0xFFFF9E58  }
0x90: {  	[tilespmem:s6], [sflag:$0x1] =	stream.linear.gather [hbm4b:s25+s6], $0x61A8, $0x38;
	[tilespmem:$0x1EA00] =	vst v63  }
0x91: {  	_ = 	snop  }
0x92: {  	[tilespmem:s20], [sflag:$0x1] =	stream.linear.gather [hbm4b:s26+s6], $0x61A8, $0x38;
	[tilespmem:$0x1EA00] =	vst v63  }
0x93: {  	_ =	swait.ge [sflag:s21], $0x61A8  }
0x94: {  	[sflag:s21] =	ssyncset.done $0x0  }
0x95: {  	[sflag:s21] =	ssyncadd.s32 $0xFFFF9E58  }
0x96: {  	_ =	swait.ge [sflag:s21], $0x61A8  }
0x97: {  	[sflag:s21] =	ssyncset.done $0x0  }
0x98: {  	[sflag:s21] =	ssyncadd.s32 $0xFFFF9E58  }
0x99: {  	[tilespmem:s23], [sflag:$0x2] =	stream.indirect.gather [spmem:s2], $0x1, s6, s22, $0xb8;
	[tilespmem:$0x1EA00] =	vst v63  }
0x9a: {  	_ = 	snop  }
0x9b: {  	[tilespmem:s24], [sflag:$0x2] =	stream.indirect.gather [spmem:s3], $0x1, s6, s22, $0xb8;
	[tilespmem:$0x1EA00] =	vst v63  }
0x9c: {  	_ =	swait.ge [sflag:s18], $0x61A8  }
0x9d: {  	[sflag:s18] =	ssyncset.done $0x0  }
0x9e: {  	[sflag:s18] =	ssyncadd.s32 $0xFFFF9E58  }
0x9f: {  	_ =	swait.ge [sflag:s18], $0x61A8  }
0xa0: {  	[sflag:s18] =	ssyncset.done $0x0  }
0xa1: {  	[sflag:s18] =	ssyncadd.s32 $0xFFFF9E58  }
0xa2: {  	[spmem:s4] =	stream.indirect.scatter.add.f32 [tilespmem:s23], [sflag:$0x3], $0x1, s20, s22, $0xb8;
	[tilespmem:$0x1EA00] =	vst v63  }
0xa3: {  	_ = 	snop  }
0xa4: {  	[spmem:s5] =	stream.indirect.scatter.add.f32 [tilespmem:s24], [sflag:$0x3], $0x1, s20, s22, $0xb8;
	[tilespmem:$0x1EA00] =	vst v63  }
0xa5: {  	_ =	swait.ge [sflag:s15], $0x61A8  }
0xa6: {  	[sflag:s15] =	ssyncset.done $0x0  }
0xa7: {  	[sflag:s15] =	ssyncadd.s32 $0xFFFF9E58  }
0xa8: {  	_ =	swait.ge [sflag:s15], $0x61A8  }
0xa9: {  	[sflag:s15] =	ssyncset.done $0x0  }
0xaa: {  	[sflag:s15] =	ssyncadd.s32 $0xFFFF9E58  }
0xab: {  	s30 =	sadd.s32 $0xFFFFFFFF, s30;
	[bflag:$0x0] =	sbarrier.arrive $0xFFFF  }
0xac: {  	[hbm:s28], [sflag:s8] =	dma.local [spmem:s13], $0x310  }
0xad: {  	p0 =	sne.s32 s30, $0x0;
	_ =	swait.ge [sflag:s18], $0x310  }
.Ltmp1:
0xae: {  	[sflag:s18] =	ssyncset.done $0x0;
	(pc) =	sbr.rel @p0 .LBB2_1-.Ltmp1, $4  }
0xaf: {  	[sflag:s18] =	ssyncadd.s32 $0xFFFFFCF0  }
0xb0: {  	[hbm:s29], [sflag:s8] =	dma.local [spmem:s17], $0x310  }
0xb1: {  	_ =	swait.ge [sflag:s18], $0x310  }
0xb2: {  	[sflag:s18] =	ssyncset.done $0x0  }
.LBB2_2:
0xb3: {  	[sflag:s18] =	ssyncadd.s32 $0xFFFFFCF0  }
0xb4: {  	_ =	sfence.sel $0x180000  }
0xb5: {  	[bflag:$0x0] =	sbarrier.arrive $0xFFFF  }
0xb6: {  	_ =	strace $0x9000004D  }
0xb7: {  	[bflag:$0x2] =	sbarrier.arrive $0xFFFF  }
0xb8: {  	p0 =	sne.s32 s1, $0x0;
	s0 =	rddreg [dreg:$0x6]  }
0xb9: {  	s0 =	sadd.s32 @!p0 $0x100000, s0  }
0xba: {  	[sflag:s0] =	ssyncadd.tile.s32 @!p0 $0x1;
	_ =	shalt  }
.Lfunc_end2:
_tile_overlayer_lowered:
.L_overlay_start_2:
0xbb: {  	(tag) =	ssettag $0x2  }
0xbc: {  	s0 =	rddreg [dreg:$0x0];
	s2 =	stileid.u32  }
0xbd: {  	s1 =	rddreg [dreg:$0x1];
	p0 =	sne.s32 s2, $0x0  }
0xbe: {  	s3 =	rddreg [dreg:$0x2];
	[bflag:$0x3] =	sbarrier.arrive $0xFFFF;
	s2 =	simm.s32 @!p0 $0x1C04  }
0xbf: {  	[timem:s3], [sflag:s2] =	dma.local @!p0 [hbm:s0], s1  }
0xc0: {  	s0 =	simm.s32 @!p0 $0x4  }
0xc1: {  	_ =	swait.ge @!p0 [sflag:s0], s1  }
0xc2: {  	s1 =	ssub.s32 @!p0 $0x0, s1;
	[sflag:s0] =	ssyncset.done @!p0 $0x0  }
0xc3: {  	[sflag:s0] =	ssyncadd.s32 @!p0 s1  }
0xc4: {  	[bflag:$0x3] =	sbarrier.arrive $0xFFFF  }
0xc5: {  	_ =	shalt  }

// kernel: kernel.9.cloned.1.call-start
scs
__scs_entry_jumppad:
0x0: {  	(pc) =	sbr.rel $0x88, $3  }
0x1: {  	(tag) =	ssettag $0x0;
	lr =	simm.s32 $0x1  }
0x2: {  	[smem:$0x3F9B] =	sst lr;
	_ =	strace $0xD0000000  }
0x3: {  	_ = 	snop  }
0x4: {  	_ = 	snop  }
0x5: {  	_ = 	snop  }
0x6: {  	_ = 	snop  }
0x7: {  	_ = 	snop  }
__scs_overlays_trampoline_lowered:
0x8: {  	[smem:$0x3FAA] =	sst s0  }
0x9: {  	[smem:$0x3FAB] =	sst s1  }
0xa: {  	[smem:$0x3FAC] =	sst s2  }
0xb: {  	[smem:$0x3FAD] =	sst s3  }
0xc: {  	[smem:$0x3FAE] =	sst s4  }
0xd: {  	[smem:$0x3FAF] =	sst s5  }
0xe: {  	[smem:$0x3FB0] =	sst s6  }
0xf: {  	[smem:$0x3FB1] =	sst s7  }
0x10: {  	[smem:$0x3FB2] =	sst s8  }
0x11: {  	[smem:$0x3FB3] =	sst s9;
	s0 =	simm.s32 @!p0 $0x0  }
0x12: {  	s1 =	sld [smem:$0x3F99];
	s0 =	simm.s32 @p0 $0x1  }
0x13: {  	[smem:$0x3FB4] =	sst s0;
	s0 =	simm.s32 @!p1 $0x0  }
0x14: {  	s2 =	sld [smem:$0x3F98];
	s0 =	simm.s32 @p1 $0x1  }
0x15: {  	[smem:$0x3FB5] =	sst s0;
	s0 =	simm.s32 @!p2 $0x0  }
0x16: {  	s3 =	sld [smem:$0x3FDB];
	s0 =	simm.s32 @p2 $0x1  }
0x17: {  	s4 =	simm.s32 $0x1BF5;
	[smem:$0x3FB7] =	sst s0  }
0x18: {  	s0 =	sld [smem:$0x3F9A];
	_ =	swait.ge [sflag:s4], $0x0  }
0x19: {  	s7 =	sld [smem:$0x3F9B]  }
0x1a: {  	s8 =	sadd.s32 $0xFFFFE003, lr  }
0x1b: {  	s9 =	sadd.s32 $0xFFFFFEF7, lr;
	s5 =	simm.s32 $0xFFFFFFFF;
	p2 =	slt.u32 s8, $0xFFFFF086  }
0x1c: {  	p1 =	slt.u32 s9, $0xF7A;
	s5 =	simm.s32 @!p2 $0x0  }
0x1d: {  	s5 =	simm.s32 @p1 $0x1;
	p0 =	seq.s32 s7, s2  }
0x1e: {  	s7 =	smul.u32 @!p0 $0xF7A, s2;
	p2 =	seq.s32 @!p0 s5, $0x0  }
0x1f: {  	s9 =	smul.u32 $0xF7A, s1;
	s8 =	simm.s32 @!p0 $0x1BF5;
	p2 =	por !p2, p0  }
0x20: {  	[sflag:s8] =	ssyncset.s32 @!p0 $0xFFFFF086;
	s6 =	sadd.s32 @!p0 s3, s7;
	s7 =	simm.s32 @!p0 $0x108  }
0x21: {  	s3 =	sadd.s32 s3, s9;
	s6 =	sadd.s32 @!p0 $0x88, s6;
	s7 =	simm.s32 @p2 $0x1082  }
0x22: {  	[simem:s7], [sflag:s8] =	dma.local @!p0 [hbm:s6], $0xF7A  }
0x23: {  	s9 =	sor.u32 $0xD0000000, s2;
	s6 =	simm.s32 $0x108;
	_ =	swait.ge @!p0 [sflag:s8], $0x0  }
0x24: {  	s3 =	sadd.s32 $0x88, s3;
	s6 =	simm.s32 @!p1 $0x1082;
	[sflag:s4] =	ssyncset.s32 $0xFFFFF086  }
0x25: {  	[simem:s6], [sflag:s4] =	dma.local [hbm:s3], $0xF7A  }
0x26: {  	[smem:$0x3F9B] =	sst s1;
	(tag) =	ssettag s2;
	_ =	strace s9  }
0x27: {  	s1 =	sld [smem:$0x3FAB]  }
0x28: {  	s2 =	sld [smem:$0x3FAC]  }
0x29: {  	s4 =	sld [smem:$0x3FAE]  }
0x2a: {  	p0 =	seq.s32 s5, $0x0;
	s5 =	sld [smem:$0x3FAF]  }
0x2b: {  	s6 =	sld [smem:$0x3FB0]  }
0x2c: {  	s7 =	sld [smem:$0x3FB1]  }
0x2d: {  	s3 =	simm.s32 $0x108;
	s8 =	sld [smem:$0x3FB2]  }
0x2e: {  	s3 =	simm.s32 @!p0 $0x1082;
	s9 =	sld [smem:$0x3FB3]  }
0x2f: {  	lr =	sadd.s32 s0, s3;
	s0 =	sld [smem:$0x3FAA]  }
0x30: {  	s3 =	sld [smem:$0x3FAD]  }
0x31: {  	[smem:$0x3FB6] =	sst s10  }
0x32: {  	s10 =	sld [smem:$0x3FB4];
	_ =	sdelay $0x3  }
0x33: {  	p0 =	seq.s32 s10, $0x1;
	s10 =	sld [smem:$0x3FB6];
	_ =	sdelay $0x3  }
0x34: {  	[smem:$0x3FB6] =	sst s10  }
0x35: {  	s10 =	sld [smem:$0x3FB5];
	_ =	sdelay $0x3  }
0x36: {  	p1 =	seq.s32 s10, $0x1;
	s10 =	sld [smem:$0x3FB6];
	_ =	sdelay $0x3  }
0x37: {  	[smem:$0x3FB6] =	sst s10  }
0x38: {  	s10 =	sld [smem:$0x3FB7]  }
0x39: {  	_ = 	snop;
	(pc) =	sbr.ind lr, $3  }
0x3a: {  	_ = 	snop  }
0x3b: {  	_ = 	snop  }
0x3c: {  	p2 =	seq.s32 s10, $0x1;
	s10 =	sld [smem:$0x3FB6]  }
0x3d: {  	_ =	shalt  }
0x3e: {  	_ =	shalt  }
0x3f: {  	_ =	shalt  }
0x40: {  	_ =	shalt  }
0x41: {  	_ =	shalt  }
0x42: {  	_ =	shalt  }
0x43: {  	_ =	shalt  }
0x44: {  	_ =	shalt  }
0x45: {  	_ =	shalt  }
0x46: {  	_ =	shalt  }
0x47: {  	_ =	shalt  }
0x48: {  	_ =	shalt  }
0x49: {  	_ =	shalt  }
0x4a: {  	_ =	shalt  }
0x4b: {  	_ =	shalt  }
0x4c: {  	_ =	shalt  }
0x4d: {  	_ =	shalt  }
0x4e: {  	_ =	shalt  }
0x4f: {  	_ =	shalt  }
0x50: {  	_ =	shalt  }
0x51: {  	_ =	shalt  }
0x52: {  	_ =	shalt  }
0x53: {  	_ =	shalt  }
0x54: {  	_ =	shalt  }
0x55: {  	_ =	shalt  }
0x56: {  	_ =	shalt  }
0x57: {  	_ =	shalt  }
0x58: {  	_ =	shalt  }
0x59: {  	_ =	shalt  }
0x5a: {  	_ =	shalt  }
0x5b: {  	_ =	shalt  }
0x5c: {  	_ =	shalt  }
0x5d: {  	_ =	shalt  }
0x5e: {  	_ =	shalt  }
0x5f: {  	_ =	shalt  }
0x60: {  	_ =	shalt  }
0x61: {  	_ =	shalt  }
0x62: {  	_ =	shalt  }
0x63: {  	_ =	shalt  }
0x64: {  	_ =	shalt  }
0x65: {  	_ =	shalt  }
0x66: {  	_ =	shalt  }
0x67: {  	_ =	shalt  }
0x68: {  	_ =	shalt  }
0x69: {  	_ =	shalt  }
0x6a: {  	_ =	shalt  }
0x6b: {  	_ =	shalt  }
0x6c: {  	_ =	shalt  }
0x6d: {  	_ =	shalt  }
0x6e: {  	_ =	shalt  }
0x6f: {  	_ =	shalt  }
0x70: {  	_ =	shalt  }
0x71: {  	_ =	shalt  }
0x72: {  	_ =	shalt  }
0x73: {  	_ =	shalt  }
0x74: {  	_ =	shalt  }
0x75: {  	_ =	shalt  }
0x76: {  	_ =	shalt  }
0x77: {  	_ =	shalt  }
0x78: {  	_ =	shalt  }
0x79: {  	_ =	shalt  }
0x7a: {  	_ =	shalt  }
0x7b: {  	_ =	shalt  }
0x7c: {  	_ =	shalt  }
0x7d: {  	_ =	shalt  }
0x7e: {  	_ =	shalt  }
0x7f: {  	_ =	shalt  }
0x80: {  	_ =	shalt  }
0x81: {  	_ =	shalt  }
0x82: {  	_ =	shalt  }
0x83: {  	_ =	shalt  }
0x84: {  	_ =	shalt  }
0x85: {  	_ =	shalt  }
0x86: {  	_ =	shalt  }
0x87: {  	_ =	shalt  }
.Lfunc_end0:
.L_simem_size_0:
called_computation_lowered:
.L_overlay_start_0:
0x88: {  	s2 =	sld [smem:$0x3FD9]  }
0x89: {  	s3 =	sld [smem:$0x3FFE];
	_ =	sdelay $0x1  }
0x8a: {  	s1 =	srdreg.scid  }
0x8b: {  	s0 =	sand.u32 $0x1, s1  }
0x8c: {  	s17 =	sshll.u32 s0, $0xA;
	s2 =	sadd.s32 s3, s2  }
0x8d: {  	s2 =	sadd.s32 s2, s17  }
0x8e: {  	[smem:$0x3FC2] =	sst s2  }
0x8f: {  	_ = 	snop  }
0x90: {  	s2 =	sld [smem:$0x3FD0];
	(tm) =	ssettm $0x1  }
0x91: {  	s18 =	sld [smem:$0x3FFB];
	_ =	sdelay $0x3  }
0x92: {  	_ =	strace s18  }
0x93: {  	s3 =	sld [smem:$0x3FFC];
	_ =	sdelay $0x3  }
0x94: {  	_ =	strace s3  }
0x95: {  	s3 =	sld [smem:$0x3FFD];
	_ =	sdelay $0x3  }
0x96: {  	_ =	strace s3  }
0x97: {  	_ =	strace $0x8FFFFFFF  }
0x98: {  	s19 =	sld [smem:$0x3FDB];
	_ =	sdelay $0x1  }
0x99: {  	s4 =	simm.s32 $_scs_section_size  }
0x9a: {  	s5 =	simm.s32 $_size__tile_overlayer_lowered;
	s6 =	simm.s32 $_tile_overlayer_lowered  }
0x9b: {  	s22 =	simm.s32 $0x1BFF;
	s21 =	sshll.u32 s6, $0x1;
	s3 =	sadd.s32 s4, s19  }
0x9c: {  	s7 =	simm.s32 $0x0;
	s20 =	sshll.u32 s5, $0x1;
	s5 =	sadd.s32 s21, s3  }
0x9d: {  	[timem:s7], [sflag:s22] =	dma.local [hbm:s5], s20  }
0x9e: {  	_ =	swait.ge [sflag:s22], s20  }
0x9f: {  	s4 =	ssub.s32 $0x0, s20;
	[sflag:s22] =	ssyncset.done $0x0  }
0xa0: {  	[sflag:s22] =	ssyncadd.s32 s4;
	_ =	sdelay $0x1  }
0xa1: {  	s23 =	simm.s32 $0x1B8B  }
0xa2: {  	_ =	swait.ge [sflag:s23], $0x1  }
0xa3: {  	[sflag:s23] =	ssyncset.done $0x0  }
0xa4: {  	s25 =	simm.s32 $0x1B8E;
	s24 =	sld [smem:$0x3FFE];
	[sflag:s23] =	ssyncadd.s32 $0xFFFFFFFF  }
0xa5: {  	s26 =	simm.s32 $execute0_lowered;
	[smem:$0x3FD2] =	sst s25  }
0xa6: {  	s5 =	sshll.u32 s26, $0x1;
	_ =	strace $0x80000046;
	[dreg:$0x1] =	wrdreg $0xFFFFFFFF  }
0xa7: {  	s28 =	simm.s32 $_size_execute0_lowered;
	s3 =	sadd.s32 s3, s5;
	[dreg:$0x0] =	wrdreg $0x0  }
0xa8: {  	s5 =	sshll.u32 s28, $0x1;
	[dreg:$0x2] =	wrdreg s3  }
0xa9: {  	[dreg:$0x3] =	wrdreg s5  }
0xaa: {  	[dreg:$0x4] =	wrdreg $0xC0  }
0xab: {  	_ =	task [dreg:s7], $0x5FFFF  }
0xac: {  	[dreg:$0x1] =	wrdreg $0xFFFFFFFF  }
0xad: {  	[dreg:$0x0] =	wrdreg $0x60  }
0xae: {  	[dreg:$0x2] =	wrdreg s24  }
0xaf: {  	[dreg:$0x3] =	wrdreg s2  }
0xb0: {  	[dreg:$0x4] =	wrdreg $0x187000  }
0xb1: {  	[dreg:$0x5] =	wrdreg $0x9  }
0xb2: {  	_ =	task.clear_ibuf [dreg:s7], $0x6FFFF;
	_ =	strace $0x90000046  }
0xb3: {  	s29 =	simm.s32 $0x9;
	_ =	strace $0x80000048  }
0xb4: {  	_ =	swait.ge [sflag:s29], $0x1  }
0xb5: {  	[sflag:s29] =	ssyncadd.s32 $0xFFFFFFFF  }
0xb6: {  	_ =	strace $0x90000048  }
0xb7: {  	_ =	sfence  }
0xb8: {  	s30 =	sld [smem:$0x0];
	_ =	sdelay $0x2  }
0xb9: {  	s31 =	sshll.u32 s1, $0xD;
	s1 =	sshrl.u32 s1, $0x2  }
0xba: {  	s3 =	sand.u32 $0x4000, s31;
	s1 =	sadd.s32 s1, s30  }
0xbb: {  	s0 =	sor.u32 s3, s0;
	s1 =	sshll.u32 s1, $0x11  }
0xbc: {  	s0 =	sor.u32 s1, s0  }
0xbd: {  	s0 =	sadd.s32 $0x8F2B, s0  }
0xbe: {  	[sflag:s0] =	ssyncadd.remote.s32 $0x1  }
0xbf: {  	_ =	sfence.sel $0xFFFF  }
0xc0: {  	[dreg:$0x0] =	wrdreg $0xFFFFFFFF;
	(pc) =	sbr.abs _section_cstart, $3  }
0xc1: {  	[dreg:$0x1] =	wrdreg $0xFFFFFFFF  }
0xc2: {  	_ =	task.clear_ibuf [dreg:s7], $0x2FFFF;
	_ =	strace $0x9FFFFFFF  }
0xc3: {  	(tm) =	ssettm $0x7FFFFFFF  }
tec
execute0_lowered:
.L_overlay_start_1:
0x0: {  	(tag) =	ssettag $0x1  }
0x1: {  	s8 =	rddreg [dreg:$0x0]  }
0x2: {  	s5 =	rddreg [dreg:$0x1]  }
0x3: {  	s0 =	srdreg.scid;
	s2 =	rddreg [dreg:$0x2];
	s3 =	simm.s32 $0x0  }
0x4: {  	s12 =	simm.s32 $0x67400;
	s13 =	simm.s32 $0x0;
	s4 =	sand.u32 $0x1, s0  }
0x5: {  	s0 =	stileid.u32;
	[smem:$0x7FF] =	sst s3;
	s1 =	sshll.u32 s4, $0x4  }
0x6: {  	s7 =	ssub.s32 $0x2, s4;
	s9 =	smul.u32 $0x1880, s0;
	s11 =	sshll.u32 s0, $0x6  }
0x7: {  	p0 =	seq.s32 s4, $0x0;
	s6 =	sor.u32 s0, s1;
	s1 =	rddreg [dreg:$0x3]  }
0x8: {  	_ =	strace $0x80000047;
	s10 =	sshrl.u32 s7, $0x1;
	s12 =	simm.s32 @!p0 $0x6A600  }
0x9: {  	s6 =	smul.u32 $0x186A, s6;
	s31 =	sadd.s32 s9, s2;
	s9 =	sshrl.u32 s9, $0x3  }
0xa: {  	s7 =	ssub.s32 s7, s10;
	s10 =	simm.s32 $0x1;
	s4 =	sadd.s32 s5, s9  }
0xb: {  	s5 =	sor.u32 $0x1C01, s11;
	s7 =	smax.u32 s7, $0x1;
	s11 =	simm.s32 $0xC350  }
0xc: {  	s6 =	sadd.s32 s6, s8;
	s8 =	sadd.s32 s12, s8;
	s12 =	simm.s32 $0xC380  }
0xd: {  	v0 =	vimm.f32 $1.000000000e+00;
	s6 =	sadd.s32 $0x36600, s6;
	s8 =	sadd.s32 s8, s9;
	s9 =	sshrl.u32 s31, $0x3  }
.LBB2_1:
0xe: {  	s14 =	simm.s32 $0x40;
	s15 =	simm.s32 $0x0  }
.LBB2_2:
0xf: {  	p0 =	sne.s32 s14, $0x30D00;
	[tilespmem:s15+$0xC380] =	vst v0;
	s15 =	smov.u32 s14;
	s14 =	sadd.s32 $0x40, s14  }
.Ltmp0:
0x10: {  	(pc) =	sbr.rel @p0 .LBB2_2-.Ltmp0, $2  }
0x11: {  	_ =	sdelay $0x2  }
0x12: {  	s15 =	sshra.s32 s15, $0x2  }
0x13: {  	[tilespmem:s15+$0xC380] =	vst v0  }
0x14: {  	[spmem:s9], [sflag:s5] =	dma.local [hbm:s4], $0x310  }
0x15: {  	_ =	swait.ge [sflag:s10], $0x310  }
0x16: {  	[sflag:s10] =	ssyncset.done $0x0  }
0x17: {  	[sflag:s10] =	ssyncadd.s32 $0xFFFFFCF0  }
0x18: {  	[bflag:$0x0] =	sbarrier.arrive $0xFFFF  }
0x19: {  	[tilespmem:s3], [sflag:$0x1] =	stream.linear.gather [hbm4b:s6+s3], $0xC350, $0x38;
	[tilespmem:$0x19F80] =	vst v63  }
0x1a: {  	_ =	swait.ge [sflag:s10], $0xC350  }
0x1b: {  	[sflag:s10] =	ssyncset.done $0x0  }
0x1c: {  	[sflag:s10] =	ssyncadd.s32 $0xFFFF3CB0  }
0x1d: {  	[spmem:s2] =	stream.indirect.scatter.add.f32 [tilespmem:s12], [sflag:$0x1], $0x1, s3, s11, $0xb8;
	[tilespmem:$0x19F80] =	vst v63  }
0x1e: {  	_ =	swait.ge [sflag:s10], $0xC350  }
0x1f: {  	s13 =	sadd.s32 $0x1, s13;
	[sflag:s10] =	ssyncset.done $0x0  }
0x20: {  	p0 =	sne.s32 s13, s7;
	[sflag:s10] =	ssyncadd.s32 $0xFFFF3CB0  }
.Ltmp1:
0x21: {  	[bflag:$0x0] =	sbarrier.arrive $0xFFFF;
	(pc) =	sbr.rel @p0 .LBB2_1-.Ltmp1, $4  }
0x22: {  	[hbm:s8], [sflag:s5] =	dma.local [spmem:s9], $0x310  }
0x23: {  	_ =	swait.ge [sflag:s10], $0x310  }
0x24: {  	[sflag:s10] =	ssyncset.done $0x0  }
0x25: {  	[sflag:s10] =	ssyncadd.s32 $0xFFFFFCF0  }
0x26: {  	_ =	sfence.sel $0x180000  }
0x27: {  	[bflag:$0x0] =	sbarrier.arrive $0xFFFF  }
0x28: {  	p0 =	sne.s32 s0, $0x0;
	_ =	strace $0x90000047  }
0x29: {  	s0 =	sadd.s32 @!p0 $0x100000, s1;
	[bflag:$0x2] =	sbarrier.arrive $0xFFFF  }
0x2a: {  	[sflag:s0] =	ssyncadd.tile.s32 @!p0 $0x1;
	_ =	shalt  }
.Lfunc_end2:
_tile_overlayer_lowered:
.L_overlay_start_2:
0x2b: {  	(tag) =	ssettag $0x2  }
0x2c: {  	s0 =	rddreg [dreg:$0x0];
	s2 =	stileid.u32  }
0x2d: {  	s1 =	rddreg [dreg:$0x1];
	p0 =	sne.s32 s2, $0x0  }
0x2e: {  	s3 =	rddreg [dreg:$0x2];
	[bflag:$0x3] =	sbarrier.arrive $0xFFFF;
	s2 =	simm.s32 @!p0 $0x1C01  }
0x2f: {  	[timem:s3], [sflag:s2] =	dma.local @!p0 [hbm:s0], s1  }
0x30: {  	s0 =	simm.s32 @!p0 $0x1  }
0x31: {  	_ =	swait.ge @!p0 [sflag:s0], s1  }
0x32: {  	s1 =	ssub.s32 @!p0 $0x0, s1;
	[sflag:s0] =	ssyncset.done @!p0 $0x0  }
0x33: {  	[sflag:s0] =	ssyncadd.s32 @!p0 s1  }
0x34: {  	[bflag:$0x3] =	sbarrier.arrive $0xFFFF  }
0x35: {  	_ =	shalt  }

</sc_bundles>
